<compile_context>
chip_gen: v7x
topology: tpu7x:2x2x1
jax: 0.10.2.dev20260603
libtpu: 0.0.44.dev20260713+nightly
codegen_flags: <defaults>
</compile_context>

<pallas_src>
import functools

import jax
import jax.numpy as jnp
from jax import lax
from jax.experimental import pallas as pl
from jax.experimental.pallas import tpu as pltpu
from jax.experimental.pallas import tpu_sc as plsc

N = 100000
H = 128
NF = 2000
MIN_FRAG = 3.0
BLK = 2560
GRID_A = 40
NPAD = 102400
NFP = 2048
NWIN = NFP // H
QW = 16
NWORK = 32
CHUNK = 320
CHUNKS_PER_W = NPAD // (NWORK * CHUNK)
DENOM = float(NF) * NF - NF + 1e-6


def _stage_a_body(ids_ref, s_ref, v_ref, g_ref, b_ref, w1_ref, b1_ref, w2_ref,
                  os_ref, on_ref, oq_ref):
    p = pl.program_id(0)

    @pl.when(p == 0)
    def _init():
        os_ref[...] = jnp.zeros_like(os_ref)
        on_ref[...] = jnp.zeros_like(on_ref)

    x = s_ref[...]
    mu = jnp.mean(x, axis=-1, keepdims=True)
    xc = x - mu
    var = jnp.mean(xc * xc, axis=-1, keepdims=True)
    xn = xc / jnp.sqrt(var + 1e-5) * g_ref[...] + b_ref[...]
    pre = lax.dot_general(xn, w1_ref[...], (((1,), (1,)), ((), ())),
                          preferred_element_type=jnp.float32) + b1_ref[...]
    s = pre * jax.nn.sigmoid(pre)
    n2 = jnp.sum(s * s, axis=-1, keepdims=True)
    ns = s / jnp.sqrt(jnp.maximum(n2, 1e-24))

    v0 = v_ref[0]
    v1 = v_ref[1]
    v2 = v_ref[2]
    r0 = jnp.sum(v0 * v0, axis=-1, keepdims=True)
    r1 = jnp.sum(v1 * v1, axis=-1, keepdims=True)
    r2 = jnp.sum(v2 * v2, axis=-1, keepdims=True)
    vmag = (jnp.sqrt(r0) + jnp.sqrt(r1) + jnp.sqrt(r2)) * (1.0 / 3.0)

    w2r0 = jnp.sum(w2_ref[0:1, :])
    pv = vmag * w2r0
    v = pv * jax.nn.sigmoid(pv)
    nv = v / jnp.maximum(jnp.sqrt(jnp.maximum(v * v, 1e-24)), 1e-12)

    row = p * BLK + lax.broadcasted_iota(jnp.int32, (BLK, 1), 0)
    mask = row < N
    s = jnp.where(mask, s, 0.0)
    ns = jnp.where(mask, ns, 0.0)

    lane16 = lax.broadcasted_iota(jnp.int32, (BLK, H), 1)
    quart = (jnp.where(lane16 == 0, vmag, 0.0)
             + jnp.where(lane16 == 1, v, 0.0)
             + jnp.where(lane16 == 2, nv, 0.0)
             + jnp.where(lane16 == 3, 1.0, 0.0))
    oq_ref[...] = jnp.where(mask, quart, 0.0).reshape(BLK * H)

    idsl = ids_ref[0]
    rows = BLK // H
    rr = lax.broadcasted_iota(jnp.int32, (BLK, rows), 0) // H
    rc = lax.broadcasted_iota(jnp.int32, (BLK, rows), 1)
    exp = (rr == rc).astype(jnp.float32)
    mrep = lax.dot_general(exp, idsl, (((1,), (0,)), ((), ())),
                           precision=lax.Precision.HIGHEST,
                           preferred_element_type=jnp.float32)
    lane = lax.broadcasted_iota(jnp.int32, (BLK, H), 1)
    imod = lax.broadcasted_iota(jnp.int32, (BLK, 1), 0) & (H - 1)
    ids = jnp.sum(jnp.where(lane == imod, mrep, 0.0), axis=-1, keepdims=True)
    idmin = jnp.min(ids)
    idmax = jnp.max(ids)
    for k in range(NWIN):
        @pl.when((idmin <= float(k * H + (H - 1))) & (idmax >= float(k * H)))
        def _win(k=k):
            oh = (ids == (k * H + lane).astype(jnp.float32)).astype(jnp.float32)
            cs = lax.dot_general(oh, s, (((0,), (0,)), ((), ())),
                                 preferred_element_type=jnp.float32)
            cn = lax.dot_general(oh, ns, (((0,), (0,)), ((), ())),
                                 preferred_element_type=jnp.float32)
            os_ref[k * H:(k + 1) * H, :] += cs
            on_ref[k * H:(k + 1) * H, :] += cn


_stage_a_call = pl.pallas_call(
    _stage_a_body,
    grid=(GRID_A,),
    in_specs=[
        pl.BlockSpec((1, BLK // H, H), lambda i: (i, 0, 0)),
        pl.BlockSpec((BLK, H), lambda i: (i, 0)),
        pl.BlockSpec((3, BLK, H), lambda i: (0, i, 0)),
        pl.BlockSpec((1, H), lambda i: (0, 0)),
        pl.BlockSpec((1, H), lambda i: (0, 0)),
        pl.BlockSpec((H, H), lambda i: (0, 0)),
        pl.BlockSpec((1, H), lambda i: (0, 0)),
        pl.BlockSpec((H, H), lambda i: (0, 0)),
    ],
    out_specs=[
        pl.BlockSpec((NFP, H), lambda i: (0, 0)),
        pl.BlockSpec((NFP, H), lambda i: (0, 0)),
        pl.BlockSpec((BLK * H,), lambda i: (i,)),
    ],
    out_shape=[
        jax.ShapeDtypeStruct((NFP, H), jnp.float32),
        jax.ShapeDtypeStruct((NFP, H), jnp.float32),
        jax.ShapeDtypeStruct((NPAD * H,), jnp.float32),
    ],
)


@functools.lru_cache(maxsize=1)
def _make_stage_b():
    mesh = plsc.VectorSubcoreMesh(core_axis_name="c", subcore_axis_name="s",
                                  num_cores=2, num_subcores=16)

    def body(quart, ids1d, zeros, out, rowbuf, idvbuf, acc):
        cid = lax.axis_index("c")
        sid = lax.axis_index("s")
        wid = cid * 16 + sid
        pltpu.sync_copy(zeros, acc)

        def chunk_step(i, carry):
            chunk = wid * CHUNKS_PER_W + i
            pltpu.sync_copy(
                quart.at[pl.ds(pl.multiple_of(chunk * CHUNK * H, CHUNK * H), CHUNK * H)],
                rowbuf)
            pltpu.sync_copy(
                ids1d.at[pl.ds(pl.multiple_of(chunk * CHUNK, CHUNK), CHUNK)], idvbuf)

            def grp_step(g, carry2):
                idvec = idvbuf[pl.ds(g * 16, 16)]
                for j in range(16):
                    fid = idvec[j]
                    off = pl.multiple_of(fid * QW, QW)
                    acc[pl.ds(off, QW)] = (acc[pl.ds(off, QW)]
                                           + rowbuf[pl.ds((g * 16 + j) * H, QW)])
                return carry2

            lax.fori_loop(0, CHUNK // 16, grp_step, 0)
            return carry

        lax.fori_loop(0, CHUNKS_PER_W, chunk_step, 0)
        pltpu.sync_copy(acc, out.at[pl.ds(pl.multiple_of(wid * NFP * QW, NFP * QW), NFP * QW)])

    return pl.kernel(
        body,
        out_type=jax.ShapeDtypeStruct((NWORK * NFP * QW,), jnp.float32),
        mesh=mesh,
        scratch_types=[
            pltpu.VMEM((CHUNK * H,), jnp.float32),
            pltpu.VMEM((CHUNK,), jnp.int32),
            pltpu.VMEM((NFP * QW,), jnp.float32),
        ],
    )


def _finalize_body(s_ref, n_ref, q_ref, o_ref):
    rpw = NFP * QW // H
    qs = q_ref[0:rpw, :]
    for w in range(1, NWORK):
        qs = qs + q_ref[w * rpw:(w + 1) * rpw, :]
    frow = lax.broadcasted_iota(jnp.int32, (NFP, rpw), 0) // 8
    rcol = lax.broadcasted_iota(jnp.int32, (NFP, rpw), 1)
    expand = (frow == rcol).astype(jnp.float32)
    m = lax.dot_general(expand, qs, (((1,), (0,)), ((), ())),
                        precision=lax.Precision.HIGHEST,
                        preferred_element_type=jnp.float32)
    fmod8 = lax.broadcasted_iota(jnp.int32, (NFP, 1), 0) & 7
    lane = lax.broadcasted_iota(jnp.int32, (NFP, H), 1)
    ssum = s_ref[...]
    nssum = n_ref[...]

    def pick(k):
        return jnp.sum(jnp.where(lane == fmod8 * QW + k, m, 0.0),
                       axis=-1, keepdims=True)

    vmagsum = pick(0)
    vsum = pick(1)
    nvsum = pick(2)
    c = pick(3)

    valid = (c >= MIN_FRAG).astype(jnp.float32)
    cm = jnp.maximum(c, 1.0)

    fmean = valid * ssum / cm
    mn = fmean / jnp.sqrt(jnp.maximum(jnp.sum(fmean * fmean, -1, keepdims=True), 1e-24))
    simsum = jnp.sum(nssum * mn, -1, keepdims=True)
    dev_mean = valid * (c - simsum) / cm
    w = c * valid
    wsum = jnp.sum(w)
    loss1 = jnp.sum(dev_mean * w * valid) / wsum

    vfmean = valid * vsum / cm
    vmn = vfmean / jnp.maximum(jnp.sqrt(jnp.maximum(vfmean * vfmean, 1e-24)), 1e-12)
    vdev_mean = valid * (c - vmn * nvsum) / cm
    loss2 = jnp.sum(vdev_mean * w * valid) / wsum

    nz = (c > 0).astype(jnp.float32)
    sfrag = nz * ssum / cm
    vfrag = nz * vmagsum / cm
    n2 = jnp.sum(sfrag * sfrag, -1, keepdims=True) + vfrag * vfrag
    inv = 1.0 / jnp.sqrt(jnp.maximum(n2, 1e-24))
    sn = sfrag * inv
    vn = vfrag * inv
    s128 = jnp.sum(sn, axis=0, keepdims=True)
    sv = jnp.sum(vn)
    ss = jnp.sum(s128 * s128) + sv * sv
    t = jnp.sum(sn * sn) + jnp.sum(vn * vn)
    inter = (ss - t) / DENOM

    total = 0.03 * (loss1 + loss2 + 0.2 * inter) * 0.05
    o_ref[...] = jnp.reshape(total, (1, 1))


_finalize_call = pl.pallas_call(
    _finalize_body,
    in_specs=[
        pl.BlockSpec((NFP, H), lambda: (0, 0)),
        pl.BlockSpec((NFP, H), lambda: (0, 0)),
        pl.BlockSpec((NWORK * NFP * QW // H, H), lambda: (0, 0)),
    ],
    out_specs=pl.BlockSpec((1, 1), lambda: (0, 0)),
    out_shape=jax.ShapeDtypeStruct((1, 1), jnp.float32),
)


def kernel(scalar_short, scalar_long, vector_short, vector_long, fragment_ids,
           ln_gamma, ln_beta, W1, b1, W2):
    ids_pad = jnp.pad(fragment_ids, (0, NPAD - N))
    ids_f = ids_pad.astype(jnp.float32).reshape(GRID_A, BLK // H, H)
    ssum, nssum, quart = _stage_a_call(
        ids_f, scalar_short, vector_short.transpose(1, 0, 2),
        ln_gamma.reshape(1, H), ln_beta.reshape(1, H),
        W1, b1.reshape(1, H), W2,
    )
    zeros = jnp.zeros((NFP * QW,), jnp.float32)
    qacc = _make_stage_b()(quart, ids_pad, zeros)
    out = _finalize_call(ssum, nssum, qacc.reshape(NWORK * NFP * QW // H, H))
    return jnp.reshape(out, ())

# --- scband reference (transcript-rebuilt; emitter-appended) ---
"""Pipeline reference for scband-short-range-intermolecular-consistency-loss-15607911153869 (READ-ONLY COPY).

The authoritative reference and input builder live on the scoring server;
editing this copy changes nothing except your own understanding.
"""

import jax, jax.numpy as jnp
import numpy as np

N = 100000
H = 128
NF = 2000
MIN_FRAG = 3
CONSISTENCY_FACTOR = 0.03
INTERMOLECULAR_WEIGHT = 0.2
SCALE = 0.05  # initial_strength, epoch 0 of warmup schedule


def _l2norm(x):
    n2 = jnp.sum(x * x, axis=-1, keepdims=True)
    n = jnp.sqrt(jnp.maximum(n2, 1e-24))
    return x / jnp.maximum(n, 1e-12)


def _silu(x):
    return x * jax.nn.sigmoid(x)


def _segment_mean(x, ids, num):
    s = jax.ops.segment_sum(x, ids, num_segments=num)
    c = jax.ops.segment_sum(jnp.ones((x.shape[0],), x.dtype), ids, num_segments=num)
    m = jnp.where(c[:, None] > 0, s / jnp.maximum(c, 1.0)[:, None], 0.0)
    return m, c


def _fragment_consistency(features, ids, sizes, valid):
    # vectorized faithful version of the per-fragment torch loop:
    # only fragments with size >= MIN_FRAG contribute; atoms of invalid
    # fragments are excluded from the fragment means (valid_mask filtering)
    atom_valid = valid[ids].astype(features.dtype)
    fsum = jax.ops.segment_sum(features * atom_valid[:, None], ids, num_segments=NF)
    fmean = fsum / jnp.maximum(sizes, 1.0)[:, None]
    mean_n = _l2norm(fmean)
    feat_n = _l2norm(features)
    sim = jnp.sum(feat_n * mean_n[ids], axis=1)
    dev = (1.0 - sim) * atom_valid
    dev_mean = jax.ops.segment_sum(dev, ids, num_segments=NF) / jnp.maximum(sizes, 1.0)
    validf = valid.astype(features.dtype)
    w = sizes * validf
    w = w / jnp.sum(w)
    return jnp.sum(dev_mean * w * validf)


def setup_inputs(seed: int = 0) -> dict:
    key = jax.random.key(seed)
    ks = jax.random.split(key, 8)
    scalar_short = jax.random.normal(ks[0], (N, H), dtype=jnp.float32)
    scalar_long = jax.random.normal(ks[1], (N, H), dtype=jnp.float32)
    vector_short = jax.random.normal(ks[2], (N, 3, H), dtype=jnp.float32)
    vector_long = jax.random.normal(ks[3], (N, 3, H), dtype=jnp.float32)
    fragment_ids = jnp.sort(jax.random.randint(ks[4], (N,), 0, NF, dtype=jnp.int32))
    ln_gamma = jnp.ones((H,), dtype=jnp.float32)
    ln_beta = jnp.zeros((H,), dtype=jnp.float32)
    W1 = jax.random.normal(ks[5], (H, H), dtype=jnp.float32) * (1.0 / np.sqrt(H))
    b1 = jnp.zeros((H,), dtype=jnp.float32)
    W2 = jax.random.normal(ks[6], (H, H), dtype=jnp.float32) * (1.0 / np.sqrt(H))
    return {
        'scalar_short': scalar_short,
        'scalar_long': scalar_long,
        'vector_short': vector_short,
        'vector_long': vector_long,
        'fragment_ids': fragment_ids,
        'ln_gamma': ln_gamma,
        'ln_beta': ln_beta,
        'W1': W1,
        'b1': b1,
        'W2': W2,
    }


def reference(scalar_short, scalar_long, vector_short, vector_long, fragment_ids, ln_gamma, ln_beta, W1, b1, W2):
    sizes = jax.ops.segment_sum(jnp.ones((N,), jnp.float32), fragment_ids, num_segments=NF)
    valid = sizes >= MIN_FRAG

    # scalar_projector: LayerNorm -> Linear -> SiLU (dropout identity in eval)
    mu = jnp.mean(scalar_short, axis=-1, keepdims=True)
    var = jnp.mean((scalar_short - mu) ** 2, axis=-1, keepdims=True)
    xn = (scalar_short - mu) / jnp.sqrt(var + 1e-5) * ln_gamma + ln_beta
    scalar_features = _silu(xn @ W1.T + b1)

    intramolecular_loss = _fragment_consistency(scalar_features, fragment_ids, sizes, valid)

    # vector path: norms over hidden dim, mean over the 3 spatial dims
    vnorm = jnp.sqrt(jnp.sum(vector_short ** 2, axis=2))  # [N, 3]
    vmag = jnp.mean(vnorm, axis=1, keepdims=True)  # [N, 1]
    vexp = jnp.broadcast_to(vmag, (N, H))
    vector_features = _silu(vexp @ W2.T)[:, :1]
    vector_loss = _fragment_consistency(vector_features, fragment_ids, sizes, valid)

    # interfragment differentiation (no valid-mask filtering, matches torch)
    sfrag, _ = _segment_mean(scalar_features, fragment_ids, NF)
    vfrag, _ = _segment_mean(vmag, fragment_ids, NF)
    comb = jnp.concatenate([sfrag, vfrag], axis=1)
    cn = _l2norm(comb)
    simm = cn @ cn.T
    mask = jnp.ones((NF, NF), jnp.float32) - jnp.eye(NF, dtype=jnp.float32)
    interfragment_loss = jnp.sum(simm * mask) / (jnp.sum(mask) + 1e-6)

    total = intramolecular_loss + vector_loss + INTERMOLECULAR_WEIGHT * interfragment_loss
    return CONSISTENCY_FACTOR * total * SCALE

if __name__ == "__main__":
    import jax
    _d = setup_inputs()
    print(jax.jit(kernel)(*tuple(_d.values())))

</pallas_src>

<mosaic_0001>
#map = affine_map<(d0, d1) -> (0)>
module attributes {stable_mosaic.version = 14 : i64} {
  func.func @body(%arg0: i32, %arg1: i32, %arg2: memref<13107200xf32, #tpu.memory_space<hbm>>, %arg3: memref<102400xi32, #tpu.memory_space<hbm>>, %arg4: memref<32768xf32, #tpu.memory_space<hbm>>, %arg5: memref<1048576xf32, #tpu.memory_space<hbm>>, %arg6: memref<40960xf32, #tpu.memory_space<vmem>>, %arg7: memref<320xi32, #tpu.memory_space<vmem>>, %arg8: memref<32768xf32, #tpu.memory_space<vmem>>) attributes {dimension_semantics = [#tpu.dimension_semantics<core_parallel>, #tpu.dimension_semantics<subcore_parallel>], iteration_bounds = array<i64: 2, 16>, scalar_prefetch = 0 : i64, scratch_operands = 3 : i64, tpu.core_type = #tpu.core_type<sc_vector_subcore>, window_params = [{transform_indices = #map}, {transform_indices = #map}, {transform_indices = #map}, {transform_indices = #map}]} {
    %mul3A = arith.constant 16 : i32
    %mul3A_0 = arith.muli %arg0, %mul3A : i32
    %add3A = arith.addi %mul3A_0, %arg1 : i32
    "tpu.region"() ({
      %run_scoped3A = tpu.sem_alloc : memref<!tpu.dma_semaphore, #tpu.memory_space<semaphore_mem>>
      tpu.enqueue_dma source(%arg4 : memref<32768xf32, #tpu.memory_space<hbm>>) target(%arg8 : memref<32768xf32, #tpu.memory_space<vmem>>) target_semaphore(%run_scoped3A : memref<!tpu.dma_semaphore, #tpu.memory_space<semaphore_mem>>)
      tpu.wait_dma2 semaphore(%run_scoped3A : memref<!tpu.dma_semaphore, #tpu.memory_space<semaphore_mem>>) src(%arg4 : memref<32768xf32, #tpu.memory_space<hbm>>) dst(%arg8 : memref<32768xf32, #tpu.memory_space<vmem>>)
      tpu.yield
    }) : () -> ()
    %scan3A = arith.constant 0 : i32
    %scan3A_1 = arith.constant 0 : i32
    %scan3A_2 = arith.constant 10 : i32
    %scan3A_3 = arith.addi %scan3A_1, %scan3A_2 : i32
    %scan3A_4 = arith.constant 1 : i32
    scf.for %scan3A_10 = %scan3A_1 to %scan3A_3 step %scan3A_4  : i32 {
      %mul3A_11 = arith.constant 10 : i32
      %mul3A_12 = arith.muli %add3A, %mul3A_11 : i32
      %add3A_13 = arith.addi %mul3A_12, %scan3A_10 : i32
      %mul3A_14 = arith.constant 320 : i32
      %mul3A_15 = arith.muli %add3A_13, %mul3A_14 : i32
      %mul3A_16 = arith.constant 128 : i32
      %mul3A_17 = arith.muli %mul3A_15, %mul3A_16 : i32
      %multiple_of3A_18 = tpu.assume_multiple %mul3A_17, 40960 : i32
      "tpu.region"() ({
        %run_scoped3A = tpu.sem_alloc : memref<!tpu.dma_semaphore, #tpu.memory_space<semaphore_mem>>
        %dma_start3A = tpu.memref_slice %arg2[%multiple_of3A_18] : memref<13107200xf32, #tpu.memory_space<hbm>> -> memref<40960xf32, #tpu.memory_space<hbm>>
        %dma_start3A_28 = tpu.memref_slice %arg2[%multiple_of3A_18] : memref<13107200xf32, #tpu.memory_space<hbm>> -> memref<40960xf32, #tpu.memory_space<hbm>>
        tpu.enqueue_dma source(%dma_start3A_28 : memref<40960xf32, #tpu.memory_space<hbm>>) target(%arg6 : memref<40960xf32, #tpu.memory_space<vmem>>) target_semaphore(%run_scoped3A : memref<!tpu.dma_semaphore, #tpu.memory_space<semaphore_mem>>)
        %dma_wait3A = tpu.memref_slice %arg2[%multiple_of3A_18] : memref<13107200xf32, #tpu.memory_space<hbm>> -> memref<40960xf32, #tpu.memory_space<hbm>>
        %dma_wait3A_29 = tpu.memref_slice %arg2[%multiple_of3A_18] : memref<13107200xf32, #tpu.memory_space<hbm>> -> memref<40960xf32, #tpu.memory_space<hbm>>
        tpu.wait_dma2 semaphore(%run_scoped3A : memref<!tpu.dma_semaphore, #tpu.memory_space<semaphore_mem>>) src(%dma_wait3A_29 : memref<40960xf32, #tpu.memory_space<hbm>>) dst(%arg6 : memref<40960xf32, #tpu.memory_space<vmem>>)
        tpu.yield
      }) : () -> ()
      %mul3A_19 = arith.constant 320 : i32
      %mul3A_20 = arith.muli %add3A_13, %mul3A_19 : i32
      %multiple_of3A_21 = tpu.assume_multiple %mul3A_20, 320 : i32
      "tpu.region"() ({
        %run_scoped3A = tpu.sem_alloc : memref<!tpu.dma_semaphore, #tpu.memory_space<semaphore_mem>>
        %dma_start3A = tpu.memref_slice %arg3[%multiple_of3A_21] : memref<102400xi32, #tpu.memory_space<hbm>> -> memref<320xi32, #tpu.memory_space<hbm>>
        %dma_start3A_28 = tpu.memref_slice %arg3[%multiple_of3A_21] : memref<102400xi32, #tpu.memory_space<hbm>> -> memref<320xi32, #tpu.memory_space<hbm>>
        tpu.enqueue_dma source(%dma_start3A_28 : memref<320xi32, #tpu.memory_space<hbm>>) target(%arg7 : memref<320xi32, #tpu.memory_space<vmem>>) target_semaphore(%run_scoped3A : memref<!tpu.dma_semaphore, #tpu.memory_space<semaphore_mem>>)
        %dma_wait3A = tpu.memref_slice %arg3[%multiple_of3A_21] : memref<102400xi32, #tpu.memory_space<hbm>> -> memref<320xi32, #tpu.memory_space<hbm>>
        %dma_wait3A_29 = tpu.memref_slice %arg3[%multiple_of3A_21] : memref<102400xi32, #tpu.memory_space<hbm>> -> memref<320xi32, #tpu.memory_space<hbm>>
        tpu.wait_dma2 semaphore(%run_scoped3A : memref<!tpu.dma_semaphore, #tpu.memory_space<semaphore_mem>>) src(%dma_wait3A_29 : memref<320xi32, #tpu.memory_space<hbm>>) dst(%arg7 : memref<320xi32, #tpu.memory_space<vmem>>)
        tpu.yield
      }) : () -> ()
      %scan3A_22 = arith.constant 0 : i32
      %scan3A_23 = arith.constant 0 : i32
      %scan3A_24 = arith.constant 20 : i32
      %scan3A_25 = arith.addi %scan3A_23, %scan3A_24 : i32
      %scan3A_26 = arith.constant 1 : i32
      scf.for %scan3A_28 = %scan3A_23 to %scan3A_25 step %scan3A_26  : i32 {
        %mul3A_29 = arith.constant 16 : i32
        %mul3A_30 = arith.muli %scan3A_28, %mul3A_29 : i32
        %get3A = arith.index_cast %mul3A_30 : i32 to index
        %get3A_31 = tpu.vector_load %arg7[%get3A] {strides = array<i32>} : memref<320xi32, #tpu.memory_space<vmem>>, vector<16xi32>,
        %get3A_32 = vector.shape_cast %get3A_31 : vector<16xi32> to vector<16xi32>
        %slice3A = vector.extract_strided_slice %get3A_32 {offsets = [0], sizes = [1], strides = [1]} : vector<16xi32> to vector<1xi32>
        %squeeze3A = vector.extract %slice3A[0] : i32 from vector<1xi32>
        %mul3A_33 = arith.constant 16 : i32
        %mul3A_34 = arith.muli %squeeze3A, %mul3A_33 : i32
        %multiple_of3A_35 = tpu.assume_multiple %mul3A_34, 16 : i32
        %get3A_36 = arith.index_cast %multiple_of3A_35 : i32 to index
        %get3A_37 = tpu.vector_load %arg8[%get3A_36] {strides = array<i32>} : memref<32768xf32, #tpu.memory_space<vmem>>, vector<16xf32>,
        %get3A_38 = vector.shape_cast %get3A_37 : vector<16xf32> to vector<16xf32>
        %mul3A_39 = arith.constant 16 : i32
        %mul3A_40 = arith.muli %scan3A_28, %mul3A_39 : i32
        %add3A_41 = arith.constant 0 : i32
        %add3A_42 = arith.addi %mul3A_40, %add3A_41 : i32
        %mul3A_43 = arith.constant 128 : i32
        %mul3A_44 = arith.muli %add3A_42, %mul3A_43 : i32
        %get3A_45 = arith.index_cast %mul3A_44 : i32 to index
        %get3A_46 = tpu.vector_load %arg6[%get3A_45] {strides = array<i32>} : memref<40960xf32, #tpu.memory_space<vmem>>, vector<16xf32>,
        %get3A_47 = vector.shape_cast %get3A_46 : vector<16xf32> to vector<16xf32>
        %add3A_48 = arith.addf %get3A_38, %get3A_47 : vector<16xf32>
        %swap3A = arith.index_cast %multiple_of3A_35 : i32 to index
        %swap3A_49 = tpu.vector_load %arg8[%swap3A] {strides = array<i32>} : memref<32768xf32, #tpu.memory_space<vmem>>, vector<16xf32>,
        %swap3A_50 = vector.shape_cast %swap3A_49 : vector<16xf32> to vector<16xf32>
        %swap3A_51 = vector.shape_cast %add3A_48 : vector<16xf32> to vector<16xf32>
        tpu.vector_store %arg8[%swap3A], %swap3A_51 {strides = array<i32>} : memref<32768xf32, #tpu.memory_space<vmem>>, vector<16xf32>,
        %slice3A_52 = vector.extract_strided_slice %get3A_32 {offsets = [1], sizes = [1], strides = [1]} : vector<16xi32> to vector<1xi32>
        %squeeze3A_53 = vector.extract %slice3A_52[0] : i32 from vector<1xi32>
        %mul3A_54 = arith.constant 16 : i32
        %mul3A_55 = arith.muli %squeeze3A_53, %mul3A_54 : i32
        %multiple_of3A_56 = tpu.assume_multiple %mul3A_55, 16 : i32
        %get3A_57 = arith.index_cast %multiple_of3A_56 : i32 to index
        %get3A_58 = tpu.vector_load %arg8[%get3A_57] {strides = array<i32>} : memref<32768xf32, #tpu.memory_space<vmem>>, vector<16xf32>,
        %get3A_59 = vector.shape_cast %get3A_58 : vector<16xf32> to vector<16xf32>
        %mul3A_60 = arith.constant 16 : i32
        %mul3A_61 = arith.muli %scan3A_28, %mul3A_60 : i32
        %add3A_62 = arith.constant 1 : i32
        %add3A_63 = arith.addi %mul3A_61, %add3A_62 : i32
        %mul3A_64 = arith.constant 128 : i32
        %mul3A_65 = arith.muli %add3A_63, %mul3A_64 : i32
        %get3A_66 = arith.index_cast %mul3A_65 : i32 to index
        %get3A_67 = tpu.vector_load %arg6[%get3A_66] {strides = array<i32>} : memref<40960xf32, #tpu.memory_space<vmem>>, vector<16xf32>,
        %get3A_68 = vector.shape_cast %get3A_67 : vector<16xf32> to vector<16xf32>
        %add3A_69 = arith.addf %get3A_59, %get3A_68 : vector<16xf32>
        %swap3A_70 = arith.index_cast %multiple_of3A_56 : i32 to index
        %swap3A_71 = tpu.vector_load %arg8[%swap3A_70] {strides = array<i32>} : memref<32768xf32, #tpu.memory_space<vmem>>, vector<16xf32>,
        %swap3A_72 = vector.shape_cast %swap3A_71 : vector<16xf32> to vector<16xf32>
        %swap3A_73 = vector.shape_cast %add3A_69 : vector<16xf32> to vector<16xf32>
        tpu.vector_store %arg8[%swap3A_70], %swap3A_73 {strides = array<i32>} : memref<32768xf32, #tpu.memory_space<vmem>>, vector<16xf32>,
        %slice3A_74 = vector.extract_strided_slice %get3A_32 {offsets = [2], sizes = [1], strides = [1]} : vector<16xi32> to vector<1xi32>
        %squeeze3A_75 = vector.extract %slice3A_74[0] : i32 from vector<1xi32>
        %mul3A_76 = arith.constant 16 : i32
        %mul3A_77 = arith.muli %squeeze3A_75, %mul3A_76 : i32
        %multiple_of3A_78 = tpu.assume_multiple %mul3A_77, 16 : i32
        %get3A_79 = arith.index_cast %multiple_of3A_78 : i32 to index
        %get3A_80 = tpu.vector_load %arg8[%get3A_79] {strides = array<i32>} : memref<32768xf32, #tpu.memory_space<vmem>>, vector<16xf32>,
        %get3A_81 = vector.shape_cast %get3A_80 : vector<16xf32> to vector<16xf32>
        %mul3A_82 = arith.constant 16 : i32
        %mul3A_83 = arith.muli %scan3A_28, %mul3A_82 : i32
        %add3A_84 = arith.constant 2 : i32
        %add3A_85 = arith.addi %mul3A_83, %add3A_84 : i32
        %mul3A_86 = arith.constant 128 : i32
        %mul3A_87 = arith.muli %add3A_85, %mul3A_86 : i32
        %get3A_88 = arith.index_cast %mul3A_87 : i32 to index
        %get3A_89 = tpu.vector_load %arg6[%get3A_88] {strides = array<i32>} : memref<40960xf32, #tpu.memory_space<vmem>>, vector<16xf32>,
        %get3A_90 = vector.shape_cast %get3A_89 : vector<16xf32> to vector<16xf32>
        %add3A_91 = arith.addf %get3A_81, %get3A_90 : vector<16xf32>
        %swap3A_92 = arith.index_cast %multiple_of3A_78 : i32 to index
        %swap3A_93 = tpu.vector_load %arg8[%swap3A_92] {strides = array<i32>} : memref<32768xf32, #tpu.memory_space<vmem>>, vector<16xf32>,
        %swap3A_94 = vector.shape_cast %swap3A_93 : vector<16xf32> to vector<16xf32>
        %swap3A_95 = vector.shape_cast %add3A_91 : vector<16xf32> to vector<16xf32>
        tpu.vector_store %arg8[%swap3A_92], %swap3A_95 {strides = array<i32>} : memref<32768xf32, #tpu.memory_space<vmem>>, vector<16xf32>,
        %slice3A_96 = vector.extract_strided_slice %get3A_32 {offsets = [3], sizes = [1], strides = [1]} : vector<16xi32> to vector<1xi32>
        %squeeze3A_97 = vector.extract %slice3A_96[0] : i32 from vector<1xi32>
        %mul3A_98 = arith.constant 16 : i32
        %mul3A_99 = arith.muli %squeeze3A_97, %mul3A_98 : i32
        %multiple_of3A_100 = tpu.assume_multiple %mul3A_99, 16 : i32
        %get3A_101 = arith.index_cast %multiple_of3A_100 : i32 to index
        %get3A_102 = tpu.vector_load %arg8[%get3A_101] {strides = array<i32>} : memref<32768xf32, #tpu.memory_space<vmem>>, vector<16xf32>,
        %get3A_103 = vector.shape_cast %get3A_102 : vector<16xf32> to vector<16xf32>
        %mul3A_104 = arith.constant 16 : i32
        %mul3A_105 = arith.muli %scan3A_28, %mul3A_104 : i32
        %add3A_106 = arith.constant 3 : i32
        %add3A_107 = arith.addi %mul3A_105, %add3A_106 : i32
        %mul3A_108 = arith.constant 128 : i32
        %mul3A_109 = arith.muli %add3A_107, %mul3A_108 : i32
        %get3A_110 = arith.index_cast %mul3A_109 : i32 to index
        %get3A_111 = tpu.vector_load %arg6[%get3A_110] {strides = array<i32>} : memref<40960xf32, #tpu.memory_space<vmem>>, vector<16xf32>,
        %get3A_112 = vector.shape_cast %get3A_111 : vector<16xf32> to vector<16xf32>
        %add3A_113 = arith.addf %get3A_103, %get3A_112 : vector<16xf32>
        %swap3A_114 = arith.index_cast %multiple_of3A_100 : i32 to index
        %swap3A_115 = tpu.vector_load %arg8[%swap3A_114] {strides = array<i32>} : memref<32768xf32, #tpu.memory_space<vmem>>, vector<16xf32>,
        %swap3A_116 = vector.shape_cast %swap3A_115 : vector<16xf32> to vector<16xf32>
        %swap3A_117 = vector.shape_cast %add3A_113 : vector<16xf32> to vector<16xf32>
        tpu.vector_store %arg8[%swap3A_114], %swap3A_117 {strides = array<i32>} : memref<32768xf32, #tpu.memory_space<vmem>>, vector<16xf32>,
        %slice3A_118 = vector.extract_strided_slice %get3A_32 {offsets = [4], sizes = [1], strides = [1]} : vector<16xi32> to vector<1xi32>
        %squeeze3A_119 = vector.extract %slice3A_118[0] : i32 from vector<1xi32>
        %mul3A_120 = arith.constant 16 : i32
        %mul3A_121 = arith.muli %squeeze3A_119, %mul3A_120 : i32
        %multiple_of3A_122 = tpu.assume_multiple %mul3A_121, 16 : i32
        %get3A_123 = arith.index_cast %multiple_of3A_122 : i32 to index
        %get3A_124 = tpu.vector_load %arg8[%get3A_123] {strides = array<i32>} : memref<32768xf32, #tpu.memory_space<vmem>>, vector<16xf32>,
        %get3A_125 = vector.shape_cast %get3A_124 : vector<16xf32> to vector<16xf32>
        %mul3A_126 = arith.constant 16 : i32
        %mul3A_127 = arith.muli %scan3A_28, %mul3A_126 : i32
        %add3A_128 = arith.constant 4 : i32
        %add3A_129 = arith.addi %mul3A_127, %add3A_128 : i32
        %mul3A_130 = arith.constant 128 : i32
        %mul3A_131 = arith.muli %add3A_129, %mul3A_130 : i32
        %get3A_132 = arith.index_cast %mul3A_131 : i32 to index
        %get3A_133 = tpu.vector_load %arg6[%get3A_132] {strides = array<i32>} : memref<40960xf32, #tpu.memory_space<vmem>>, vector<16xf32>,
        %get3A_134 = vector.shape_cast %get3A_133 : vector<16xf32> to vector<16xf32>
        %add3A_135 = arith.addf %get3A_125, %get3A_134 : vector<16xf32>
        %swap3A_136 = arith.index_cast %multiple_of3A_122 : i32 to index
        %swap3A_137 = tpu.vector_load %arg8[%swap3A_136] {strides = array<i32>} : memref<32768xf32, #tpu.memory_space<vmem>>, vector<16xf32>,
        %swap3A_138 = vector.shape_cast %swap3A_137 : vector<16xf32> to vector<16xf32>
        %swap3A_139 = vector.shape_cast %add3A_135 : vector<16xf32> to vector<16xf32>
        tpu.vector_store %arg8[%swap3A_136], %swap3A_139 {strides = array<i32>} : memref<32768xf32, #tpu.memory_space<vmem>>, vector<16xf32>,
        %slice3A_140 = vector.extract_strided_slice %get3A_32 {offsets = [5], sizes = [1], strides = [1]} : vector<16xi32> to vector<1xi32>
        %squeeze3A_141 = vector.extract %slice3A_140[0] : i32 from vector<1xi32>
        %mul3A_142 = arith.constant 16 : i32
        %mul3A_143 = arith.muli %squeeze3A_141, %mul3A_142 : i32
        %multiple_of3A_144 = tpu.assume_multiple %mul3A_143, 16 : i32
        %get3A_145 = arith.index_cast %multiple_of3A_144 : i32 to index
        %get3A_146 = tpu.vector_load %arg8[%get3A_145] {strides = array<i32>} : memref<32768xf32, #tpu.memory_space<vmem>>, vector<16xf32>,
        %get3A_147 = vector.shape_cast %get3A_146 : vector<16xf32> to vector<16xf32>
        %mul3A_148 = arith.constant 16 : i32
        %mul3A_149 = arith.muli %scan3A_28, %mul3A_148 : i32
        %add3A_150 = arith.constant 5 : i32
        %add3A_151 = arith.addi %mul3A_149, %add3A_150 : i32
        %mul3A_152 = arith.constant 128 : i32
        %mul3A_153 = arith.muli %add3A_151, %mul3A_152 : i32
        %get3A_154 = arith.index_cast %mul3A_153 : i32 to index
        %get3A_155 = tpu.vector_load %arg6[%get3A_154] {strides = array<i32>} : memref<40960xf32, #tpu.memory_space<vmem>>, vector<16xf32>,
        %get3A_156 = vector.shape_cast %get3A_155 : vector<16xf32> to vector<16xf32>
        %add3A_157 = arith.addf %get3A_147, %get3A_156 : vector<16xf32>
        %swap3A_158 = arith.index_cast %multiple_of3A_144 : i32 to index
        %swap3A_159 = tpu.vector_load %arg8[%swap3A_158] {strides = array<i32>} : memref<32768xf32, #tpu.memory_space<vmem>>, vector<16xf32>,
        %swap3A_160 = vector.shape_cast %swap3A_159 : vector<16xf32> to vector<16xf32>
        %swap3A_161 = vector.shape_cast %add3A_157 : vector<16xf32> to vector<16xf32>
        tpu.vector_store %arg8[%swap3A_158], %swap3A_161 {strides = array<i32>} : memref<32768xf32, #tpu.memory_space<vmem>>, vector<16xf32>,
        %slice3A_162 = vector.extract_strided_slice %get3A_32 {offsets = [6], sizes = [1], strides = [1]} : vector<16xi32> to vector<1xi32>
        %squeeze3A_163 = vector.extract %slice3A_162[0] : i32 from vector<1xi32>
        %mul3A_164 = arith.constant 16 : i32
        %mul3A_165 = arith.muli %squeeze3A_163, %mul3A_164 : i32
        %multiple_of3A_166 = tpu.assume_multiple %mul3A_165, 16 : i32
        %get3A_167 = arith.index_cast %multiple_of3A_166 : i32 to index
        %get3A_168 = tpu.vector_load %arg8[%get3A_167] {strides = array<i32>} : memref<32768xf32, #tpu.memory_space<vmem>>, vector<16xf32>,
        %get3A_169 = vector.shape_cast %get3A_168 : vector<16xf32> to vector<16xf32>
        %mul3A_170 = arith.constant 16 : i32
        %mul3A_171 = arith.muli %scan3A_28, %mul3A_170 : i32
        %add3A_172 = arith.constant 6 : i32
        %add3A_173 = arith.addi %mul3A_171, %add3A_172 : i32
        %mul3A_174 = arith.constant 128 : i32
        %mul3A_175 = arith.muli %add3A_173, %mul3A_174 : i32
        %get3A_176 = arith.index_cast %mul3A_175 : i32 to index
        %get3A_177 = tpu.vector_load %arg6[%get3A_176] {strides = array<i32>} : memref<40960xf32, #tpu.memory_space<vmem>>, vector<16xf32>,
        %get3A_178 = vector.shape_cast %get3A_177 : vector<16xf32> to vector<16xf32>
        %add3A_179 = arith.addf %get3A_169, %get3A_178 : vector<16xf32>
        %swap3A_180 = arith.index_cast %multiple_of3A_166 : i32 to index
        %swap3A_181 = tpu.vector_load %arg8[%swap3A_180] {strides = array<i32>} : memref<32768xf32, #tpu.memory_space<vmem>>, vector<16xf32>,
        %swap3A_182 = vector.shape_cast %swap3A_181 : vector<16xf32> to vector<16xf32>
        %swap3A_183 = vector.shape_cast %add3A_179 : vector<16xf32> to vector<16xf32>
        tpu.vector_store %arg8[%swap3A_180], %swap3A_183 {strides = array<i32>} : memref<32768xf32, #tpu.memory_space<vmem>>, vector<16xf32>,
        %slice3A_184 = vector.extract_strided_slice %get3A_32 {offsets = [7], sizes = [1], strides = [1]} : vector<16xi32> to vector<1xi32>
        %squeeze3A_185 = vector.extract %slice3A_184[0] : i32 from vector<1xi32>
        %mul3A_186 = arith.constant 16 : i32
        %mul3A_187 = arith.muli %squeeze3A_185, %mul3A_186 : i32
        %multiple_of3A_188 = tpu.assume_multiple %mul3A_187, 16 : i32
        %get3A_189 = arith.index_cast %multiple_of3A_188 : i32 to index
        %get3A_190 = tpu.vector_load %arg8[%get3A_189] {strides = array<i32>} : memref<32768xf32, #tpu.memory_space<vmem>>, vector<16xf32>,
        %get3A_191 = vector.shape_cast %get3A_190 : vector<16xf32> to vector<16xf32>
        %mul3A_192 = arith.constant 16 : i32
        %mul3A_193 = arith.muli %scan3A_28, %mul3A_192 : i32
        %add3A_194 = arith.constant 7 : i32
        %add3A_195 = arith.addi %mul3A_193, %add3A_194 : i32
        %mul3A_196 = arith.constant 128 : i32
        %mul3A_197 = arith.muli %add3A_195, %mul3A_196 : i32
        %get3A_198 = arith.index_cast %mul3A_197 : i32 to index
        %get3A_199 = tpu.vector_load %arg6[%get3A_198] {strides = array<i32>} : memref<40960xf32, #tpu.memory_space<vmem>>, vector<16xf32>,
        %get3A_200 = vector.shape_cast %get3A_199 : vector<16xf32> to vector<16xf32>
        %add3A_201 = arith.addf %get3A_191, %get3A_200 : vector<16xf32>
        %swap3A_202 = arith.index_cast %multiple_of3A_188 : i32 to index
        %swap3A_203 = tpu.vector_load %arg8[%swap3A_202] {strides = array<i32>} : memref<32768xf32, #tpu.memory_space<vmem>>, vector<16xf32>,
        %swap3A_204 = vector.shape_cast %swap3A_203 : vector<16xf32> to vector<16xf32>
        %swap3A_205 = vector.shape_cast %add3A_201 : vector<16xf32> to vector<16xf32>
        tpu.vector_store %arg8[%swap3A_202], %swap3A_205 {strides = array<i32>} : memref<32768xf32, #tpu.memory_space<vmem>>, vector<16xf32>,
        %slice3A_206 = vector.extract_strided_slice %get3A_32 {offsets = [8], sizes = [1], strides = [1]} : vector<16xi32> to vector<1xi32>
        %squeeze3A_207 = vector.extract %slice3A_206[0] : i32 from vector<1xi32>
        %mul3A_208 = arith.constant 16 : i32
        %mul3A_209 = arith.muli %squeeze3A_207, %mul3A_208 : i32
        %multiple_of3A_210 = tpu.assume_multiple %mul3A_209, 16 : i32
        %get3A_211 = arith.index_cast %multiple_of3A_210 : i32 to index
        %get3A_212 = tpu.vector_load %arg8[%get3A_211] {strides = array<i32>} : memref<32768xf32, #tpu.memory_space<vmem>>, vector<16xf32>,
        %get3A_213 = vector.shape_cast %get3A_212 : vector<16xf32> to vector<16xf32>
        %mul3A_214 = arith.constant 16 : i32
        %mul3A_215 = arith.muli %scan3A_28, %mul3A_214 : i32
        %add3A_216 = arith.constant 8 : i32
        %add3A_217 = arith.addi %mul3A_215, %add3A_216 : i32
        %mul3A_218 = arith.constant 128 : i32
        %mul3A_219 = arith.muli %add3A_217, %mul3A_218 : i32
        %get3A_220 = arith.index_cast %mul3A_219 : i32 to index
        %get3A_221 = tpu.vector_load %arg6[%get3A_220] {strides = array<i32>} : memref<40960xf32, #tpu.memory_space<vmem>>, vector<16xf32>,
        %get3A_222 = vector.shape_cast %get3A_221 : vector<16xf32> to vector<16xf32>
        %add3A_223 = arith.addf %get3A_213, %get3A_222 : vector<16xf32>
        %swap3A_224 = arith.index_cast %multiple_of3A_210 : i32 to index
        %swap3A_225 = tpu.vector_load %arg8[%swap3A_224] {strides = array<i32>} : memref<32768xf32, #tpu.memory_space<vmem>>, vector<16xf32>,
        %swap3A_226 = vector.shape_cast %swap3A_225 : vector<16xf32> to vector<16xf32>
        %swap3A_227 = vector.shape_cast %add3A_223 : vector<16xf32> to vector<16xf32>
        tpu.vector_store %arg8[%swap3A_224], %swap3A_227 {strides = array<i32>} : memref<32768xf32, #tpu.memory_space<vmem>>, vector<16xf32>,
        %slice3A_228 = vector.extract_strided_slice %get3A_32 {offsets = [9], sizes = [1], strides = [1]} : vector<16xi32> to vector<1xi32>
        %squeeze3A_229 = vector.extract %slice3A_228[0] : i32 from vector<1xi32>
        %mul3A_230 = arith.constant 16 : i32
        %mul3A_231 = arith.muli %squeeze3A_229, %mul3A_230 : i32
        %multiple_of3A_232 = tpu.assume_multiple %mul3A_231, 16 : i32
        %get3A_233 = arith.index_cast %multiple_of3A_232 : i32 to index
        %get3A_234 = tpu.vector_load %arg8[%get3A_233] {strides = array<i32>} : memref<32768xf32, #tpu.memory_space<vmem>>, vector<16xf32>,
        %get3A_235 = vector.shape_cast %get3A_234 : vector<16xf32> to vector<16xf32>
        %mul3A_236 = arith.constant 16 : i32
        %mul3A_237 = arith.muli %scan3A_28, %mul3A_236 : i32
        %add3A_238 = arith.constant 9 : i32
        %add3A_239 = arith.addi %mul3A_237, %add3A_238 : i32
        %mul3A_240 = arith.constant 128 : i32
        %mul3A_241 = arith.muli %add3A_239, %mul3A_240 : i32
        %get3A_242 = arith.index_cast %mul3A_241 : i32 to index
        %get3A_243 = tpu.vector_load %arg6[%get3A_242] {strides = array<i32>} : memref<40960xf32, #tpu.memory_space<vmem>>, vector<16xf32>,
        %get3A_244 = vector.shape_cast %get3A_243 : vector<16xf32> to vector<16xf32>
        %add3A_245 = arith.addf %get3A_235, %get3A_244 : vector<16xf32>
        %swap3A_246 = arith.index_cast %multiple_of3A_232 : i32 to index
        %swap3A_247 = tpu.vector_load %arg8[%swap3A_246] {strides = array<i32>} : memref<32768xf32, #tpu.memory_space<vmem>>, vector<16xf32>,
        %swap3A_248 = vector.shape_cast %swap3A_247 : vector<16xf32> to vector<16xf32>
        %swap3A_249 = vector.shape_cast %add3A_245 : vector<16xf32> to vector<16xf32>
        tpu.vector_store %arg8[%swap3A_246], %swap3A_249 {strides = array<i32>} : memref<32768xf32, #tpu.memory_space<vmem>>, vector<16xf32>,
        %slice3A_250 = vector.extract_strided_slice %get3A_32 {offsets = [10], sizes = [1], strides = [1]} : vector<16xi32> to vector<1xi32>
        %squeeze3A_251 = vector.extract %slice3A_250[0] : i32 from vector<1xi32>
        %mul3A_252 = arith.constant 16 : i32
        %mul3A_253 = arith.muli %squeeze3A_251, %mul3A_252 : i32
        %multiple_of3A_254 = tpu.assume_multiple %mul3A_253, 16 : i32
        %get3A_255 = arith.index_cast %multiple_of3A_254 : i32 to index
        %get3A_256 = tpu.vector_load %arg8[%get3A_255] {strides = array<i32>} : memref<32768xf32, #tpu.memory_space<vmem>>, vector<16xf32>,
        %get3A_257 = vector.shape_cast %get3A_256 : vector<16xf32> to vector<16xf32>
        %mul3A_258 = arith.constant 16 : i32
        %mul3A_259 = arith.muli %scan3A_28, %mul3A_258 : i32
        %add3A_260 = arith.constant 10 : i32
        %add3A_261 = arith.addi %mul3A_259, %add3A_260 : i32
        %mul3A_262 = arith.constant 128 : i32
        %mul3A_263 = arith.muli %add3A_261, %mul3A_262 : i32
        %get3A_264 = arith.index_cast %mul3A_263 : i32 to index
        %get3A_265 = tpu.vector_load %arg6[%get3A_264] {strides = array<i32>} : memref<40960xf32, #tpu.memory_space<vmem>>, vector<16xf32>,
        %get3A_266 = vector.shape_cast %get3A_265 : vector<16xf32> to vector<16xf32>
        %add3A_267 = arith.addf %get3A_257, %get3A_266 : vector<16xf32>
        %swap3A_268 = arith.index_cast %multiple_of3A_254 : i32 to index
        %swap3A_269 = tpu.vector_load %arg8[%swap3A_268] {strides = array<i32>} : memref<32768xf32, #tpu.memory_space<vmem>>, vector<16xf32>,
        %swap3A_270 = vector.shape_cast %swap3A_269 : vector<16xf32> to vector<16xf32>
        %swap3A_271 = vector.shape_cast %add3A_267 : vector<16xf32> to vector<16xf32>
        tpu.vector_store %arg8[%swap3A_268], %swap3A_271 {strides = array<i32>} : memref<32768xf32, #tpu.memory_space<vmem>>, vector<16xf32>,
        %slice3A_272 = vector.extract_strided_slice %get3A_32 {offsets = [11], sizes = [1], strides = [1]} : vector<16xi32> to vector<1xi32>
        %squeeze3A_273 = vector.extract %slice3A_272[0] : i32 from vector<1xi32>
        %mul3A_274 = arith.constant 16 : i32
        %mul3A_275 = arith.muli %squeeze3A_273, %mul3A_274 : i32
        %multiple_of3A_276 = tpu.assume_multiple %mul3A_275, 16 : i32
        %get3A_277 = arith.index_cast %multiple_of3A_276 : i32 to index
        %get3A_278 = tpu.vector_load %arg8[%get3A_277] {strides = array<i32>} : memref<32768xf32, #tpu.memory_space<vmem>>, vector<16xf32>,
        %get3A_279 = vector.shape_cast %get3A_278 : vector<16xf32> to vector<16xf32>
        %mul3A_280 = arith.constant 16 : i32
        %mul3A_281 = arith.muli %scan3A_28, %mul3A_280 : i32
        %add3A_282 = arith.constant 11 : i32
        %add3A_283 = arith.addi %mul3A_281, %add3A_282 : i32
        %mul3A_284 = arith.constant 128 : i32
        %mul3A_285 = arith.muli %add3A_283, %mul3A_284 : i32
        %get3A_286 = arith.index_cast %mul3A_285 : i32 to index
        %get3A_287 = tpu.vector_load %arg6[%get3A_286] {strides = array<i32>} : memref<40960xf32, #tpu.memory_space<vmem>>, vector<16xf32>,
        %get3A_288 = vector.shape_cast %get3A_287 : vector<16xf32> to vector<16xf32>
        %add3A_289 = arith.addf %get3A_279, %get3A_288 : vector<16xf32>
        %swap3A_290 = arith.index_cast %multiple_of3A_276 : i32 to index
        %swap3A_291 = tpu.vector_load %arg8[%swap3A_290] {strides = array<i32>} : memref<32768xf32, #tpu.memory_space<vmem>>, vector<16xf32>,
        %swap3A_292 = vector.shape_cast %swap3A_291 : vector<16xf32> to vector<16xf32>
        %swap3A_293 = vector.shape_cast %add3A_289 : vector<16xf32> to vector<16xf32>
        tpu.vector_store %arg8[%swap3A_290], %swap3A_293 {strides = array<i32>} : memref<32768xf32, #tpu.memory_space<vmem>>, vector<16xf32>,
        %slice3A_294 = vector.extract_strided_slice %get3A_32 {offsets = [12], sizes = [1], strides = [1]} : vector<16xi32> to vector<1xi32>
        %squeeze3A_295 = vector.extract %slice3A_294[0] : i32 from vector<1xi32>
        %mul3A_296 = arith.constant 16 : i32
        %mul3A_297 = arith.muli %squeeze3A_295, %mul3A_296 : i32
        %multiple_of3A_298 = tpu.assume_multiple %mul3A_297, 16 : i32
        %get3A_299 = arith.index_cast %multiple_of3A_298 : i32 to index
        %get3A_300 = tpu.vector_load %arg8[%get3A_299] {strides = array<i32>} : memref<32768xf32, #tpu.memory_space<vmem>>, vector<16xf32>,
        %get3A_301 = vector.shape_cast %get3A_300 : vector<16xf32> to vector<16xf32>
        %mul3A_302 = arith.constant 16 : i32
        %mul3A_303 = arith.muli %scan3A_28, %mul3A_302 : i32
        %add3A_304 = arith.constant 12 : i32
        %add3A_305 = arith.addi %mul3A_303, %add3A_304 : i32
        %mul3A_306 = arith.constant 128 : i32
        %mul3A_307 = arith.muli %add3A_305, %mul3A_306 : i32
        %get3A_308 = arith.index_cast %mul3A_307 : i32 to index
        %get3A_309 = tpu.vector_load %arg6[%get3A_308] {strides = array<i32>} : memref<40960xf32, #tpu.memory_space<vmem>>, vector<16xf32>,
        %get3A_310 = vector.shape_cast %get3A_309 : vector<16xf32> to vector<16xf32>
        %add3A_311 = arith.addf %get3A_301, %get3A_310 : vector<16xf32>
        %swap3A_312 = arith.index_cast %multiple_of3A_298 : i32 to index
        %swap3A_313 = tpu.vector_load %arg8[%swap3A_312] {strides = array<i32>} : memref<32768xf32, #tpu.memory_space<vmem>>, vector<16xf32>,
        %swap3A_314 = vector.shape_cast %swap3A_313 : vector<16xf32> to vector<16xf32>
        %swap3A_315 = vector.shape_cast %add3A_311 : vector<16xf32> to vector<16xf32>
        tpu.vector_store %arg8[%swap3A_312], %swap3A_315 {strides = array<i32>} : memref<32768xf32, #tpu.memory_space<vmem>>, vector<16xf32>,
        %slice3A_316 = vector.extract_strided_slice %get3A_32 {offsets = [13], sizes = [1], strides = [1]} : vector<16xi32> to vector<1xi32>
        %squeeze3A_317 = vector.extract %slice3A_316[0] : i32 from vector<1xi32>
        %mul3A_318 = arith.constant 16 : i32
        %mul3A_319 = arith.muli %squeeze3A_317, %mul3A_318 : i32
        %multiple_of3A_320 = tpu.assume_multiple %mul3A_319, 16 : i32
        %get3A_321 = arith.index_cast %multiple_of3A_320 : i32 to index
        %get3A_322 = tpu.vector_load %arg8[%get3A_321] {strides = array<i32>} : memref<32768xf32, #tpu.memory_space<vmem>>, vector<16xf32>,
        %get3A_323 = vector.shape_cast %get3A_322 : vector<16xf32> to vector<16xf32>
        %mul3A_324 = arith.constant 16 : i32
        %mul3A_325 = arith.muli %scan3A_28, %mul3A_324 : i32
        %add3A_326 = arith.constant 13 : i32
        %add3A_327 = arith.addi %mul3A_325, %add3A_326 : i32
        %mul3A_328 = arith.constant 128 : i32
        %mul3A_329 = arith.muli %add3A_327, %mul3A_328 : i32
        %get3A_330 = arith.index_cast %mul3A_329 : i32 to index
        %get3A_331 = tpu.vector_load %arg6[%get3A_330] {strides = array<i32>} : memref<40960xf32, #tpu.memory_space<vmem>>, vector<16xf32>,
        %get3A_332 = vector.shape_cast %get3A_331 : vector<16xf32> to vector<16xf32>
        %add3A_333 = arith.addf %get3A_323, %get3A_332 : vector<16xf32>
        %swap3A_334 = arith.index_cast %multiple_of3A_320 : i32 to index
        %swap3A_335 = tpu.vector_load %arg8[%swap3A_334] {strides = array<i32>} : memref<32768xf32, #tpu.memory_space<vmem>>, vector<16xf32>,
        %swap3A_336 = vector.shape_cast %swap3A_335 : vector<16xf32> to vector<16xf32>
        %swap3A_337 = vector.shape_cast %add3A_333 : vector<16xf32> to vector<16xf32>
        tpu.vector_store %arg8[%swap3A_334], %swap3A_337 {strides = array<i32>} : memref<32768xf32, #tpu.memory_space<vmem>>, vector<16xf32>,
        %slice3A_338 = vector.extract_strided_slice %get3A_32 {offsets = [14], sizes = [1], strides = [1]} : vector<16xi32> to vector<1xi32>
        %squeeze3A_339 = vector.extract %slice3A_338[0] : i32 from vector<1xi32>
        %mul3A_340 = arith.constant 16 : i32
        %mul3A_341 = arith.muli %squeeze3A_339, %mul3A_340 : i32
        %multiple_of3A_342 = tpu.assume_multiple %mul3A_341, 16 : i32
        %get3A_343 = arith.index_cast %multiple_of3A_342 : i32 to index
        %get3A_344 = tpu.vector_load %arg8[%get3A_343] {strides = array<i32>} : memref<32768xf32, #tpu.memory_space<vmem>>, vector<16xf32>,
        %get3A_345 = vector.shape_cast %get3A_344 : vector<16xf32> to vector<16xf32>
        %mul3A_346 = arith.constant 16 : i32
        %mul3A_347 = arith.muli %scan3A_28, %mul3A_346 : i32
        %add3A_348 = arith.constant 14 : i32
        %add3A_349 = arith.addi %mul3A_347, %add3A_348 : i32
        %mul3A_350 = arith.constant 128 : i32
        %mul3A_351 = arith.muli %add3A_349, %mul3A_350 : i32
        %get3A_352 = arith.index_cast %mul3A_351 : i32 to index
        %get3A_353 = tpu.vector_load %arg6[%get3A_352] {strides = array<i32>} : memref<40960xf32, #tpu.memory_space<vmem>>, vector<16xf32>,
        %get3A_354 = vector.shape_cast %get3A_353 : vector<16xf32> to vector<16xf32>
        %add3A_355 = arith.addf %get3A_345, %get3A_354 : vector<16xf32>
        %swap3A_356 = arith.index_cast %multiple_of3A_342 : i32 to index
        %swap3A_357 = tpu.vector_load %arg8[%swap3A_356] {strides = array<i32>} : memref<32768xf32, #tpu.memory_space<vmem>>, vector<16xf32>,
        %swap3A_358 = vector.shape_cast %swap3A_357 : vector<16xf32> to vector<16xf32>
        %swap3A_359 = vector.shape_cast %add3A_355 : vector<16xf32> to vector<16xf32>
        tpu.vector_store %arg8[%swap3A_356], %swap3A_359 {strides = array<i32>} : memref<32768xf32, #tpu.memory_space<vmem>>, vector<16xf32>,
        %slice3A_360 = vector.extract_strided_slice %get3A_32 {offsets = [15], sizes = [1], strides = [1]} : vector<16xi32> to vector<1xi32>
        %squeeze3A_361 = vector.extract %slice3A_360[0] : i32 from vector<1xi32>
        %mul3A_362 = arith.constant 16 : i32
        %mul3A_363 = arith.muli %squeeze3A_361, %mul3A_362 : i32
        %multiple_of3A_364 = tpu.assume_multiple %mul3A_363, 16 : i32
        %get3A_365 = arith.index_cast %multiple_of3A_364 : i32 to index
        %get3A_366 = tpu.vector_load %arg8[%get3A_365] {strides = array<i32>} : memref<32768xf32, #tpu.memory_space<vmem>>, vector<16xf32>,
        %get3A_367 = vector.shape_cast %get3A_366 : vector<16xf32> to vector<16xf32>
        %mul3A_368 = arith.constant 16 : i32
        %mul3A_369 = arith.muli %scan3A_28, %mul3A_368 : i32
        %add3A_370 = arith.constant 15 : i32
        %add3A_371 = arith.addi %mul3A_369, %add3A_370 : i32
        %mul3A_372 = arith.constant 128 : i32
        %mul3A_373 = arith.muli %add3A_371, %mul3A_372 : i32
        %get3A_374 = arith.index_cast %mul3A_373 : i32 to index
        %get3A_375 = tpu.vector_load %arg6[%get3A_374] {strides = array<i32>} : memref<40960xf32, #tpu.memory_space<vmem>>, vector<16xf32>,
        %get3A_376 = vector.shape_cast %get3A_375 : vector<16xf32> to vector<16xf32>
        %add3A_377 = arith.addf %get3A_367, %get3A_376 : vector<16xf32>
        %swap3A_378 = arith.index_cast %multiple_of3A_364 : i32 to index
        %swap3A_379 = tpu.vector_load %arg8[%swap3A_378] {strides = array<i32>} : memref<32768xf32, #tpu.memory_space<vmem>>, vector<16xf32>,
        %swap3A_380 = vector.shape_cast %swap3A_379 : vector<16xf32> to vector<16xf32>
        %swap3A_381 = vector.shape_cast %add3A_377 : vector<16xf32> to vector<16xf32>
        tpu.vector_store %arg8[%swap3A_378], %swap3A_381 {strides = array<i32>} : memref<32768xf32, #tpu.memory_space<vmem>>, vector<16xf32>,
      }
      %scan3A_27 = arith.constant 20 : i32
    }
    %scan3A_5 = arith.constant 10 : i32
    %mul3A_6 = arith.constant 2048 : i32
    %mul3A_7 = arith.muli %add3A, %mul3A_6 : i32
    %mul3A_8 = arith.constant 16 : i32
    %mul3A_9 = arith.muli %mul3A_7, %mul3A_8 : i32
    %multiple_of3A = tpu.assume_multiple %mul3A_9, 32768 : i32
    "tpu.region"() ({
      %run_scoped3A = tpu.sem_alloc : memref<!tpu.dma_semaphore, #tpu.memory_space<semaphore_mem>>
      %dma_start3A = tpu.memref_slice %arg5[%multiple_of3A] : memref<1048576xf32, #tpu.memory_space<hbm>> -> memref<32768xf32, #tpu.memory_space<hbm>>
      %dma_start3A_10 = tpu.memref_slice %arg5[%multiple_of3A] : memref<1048576xf32, #tpu.memory_space<hbm>> -> memref<32768xf32, #tpu.memory_space<hbm>>
      tpu.enqueue_dma source(%arg8 : memref<32768xf32, #tpu.memory_space<vmem>>) target(%dma_start3A_10 : memref<32768xf32, #tpu.memory_space<hbm>>) target_semaphore(%run_scoped3A : memref<!tpu.dma_semaphore, #tpu.memory_space<semaphore_mem>>)
      %dma_wait3A = tpu.memref_slice %arg5[%multiple_of3A] : memref<1048576xf32, #tpu.memory_space<hbm>> -> memref<32768xf32, #tpu.memory_space<hbm>>
      %dma_wait3A_11 = tpu.memref_slice %arg5[%multiple_of3A] : memref<1048576xf32, #tpu.memory_space<hbm>> -> memref<32768xf32, #tpu.memory_space<hbm>>
      tpu.wait_dma2 semaphore(%run_scoped3A : memref<!tpu.dma_semaphore, #tpu.memory_space<semaphore_mem>>) src(%arg8 : memref<32768xf32, #tpu.memory_space<vmem>>) dst(%dma_wait3A_11 : memref<32768xf32, #tpu.memory_space<hbm>>)
      tpu.yield
    }) : () -> ()
    return
  }
}

module attributes {stable_mosaic.version = 14 : i64} {
  func.func @_finalize_body(%arg0: memref<2048x128xf32, #tpu.memory_space<vmem>>, %arg1: memref<2048x128xf32, #tpu.memory_space<vmem>>, %arg2: memref<8192x128xf32, #tpu.memory_space<vmem>>, %arg3: memref<1x1xf32, #tpu.memory_space<vmem>>) attributes {dimension_semantics = [], scalar_prefetch = 0 : i64, scratch_operands = 0 : i64, tpu.core_type = #tpu.core_type<tc>} {
    %get3A = arith.constant 0 : index
    %get3A_0 = arith.constant 0 : index
    %get3A_1 = vector.load %arg2[%get3A, %get3A_0] : memref<8192x128xf32, #tpu.memory_space<vmem>>, vector<256x128xf32>
    %get3A_2 = arith.constant 256 : index
    %get3A_3 = arith.constant 0 : index
    %get3A_4 = vector.load %arg2[%get3A_2, %get3A_3] : memref<8192x128xf32, #tpu.memory_space<vmem>>, vector<256x128xf32>
    %add3A = arith.addf %get3A_1, %get3A_4 : vector<256x128xf32>
    %get3A_5 = arith.constant 512 : index
    %get3A_6 = arith.constant 0 : index
    %get3A_7 = vector.load %arg2[%get3A_5, %get3A_6] : memref<8192x128xf32, #tpu.memory_space<vmem>>, vector<256x128xf32>
    %add3A_8 = arith.addf %add3A, %get3A_7 : vector<256x128xf32>
    %get3A_9 = arith.constant 768 : index
    %get3A_10 = arith.constant 0 : index
    %get3A_11 = vector.load %arg2[%get3A_9, %get3A_10] : memref<8192x128xf32, #tpu.memory_space<vmem>>, vector<256x128xf32>
    %add3A_12 = arith.addf %add3A_8, %get3A_11 : vector<256x128xf32>
    %get3A_13 = arith.constant 1024 : index
    %get3A_14 = arith.constant 0 : index
    %get3A_15 = vector.load %arg2[%get3A_13, %get3A_14] : memref<8192x128xf32, #tpu.memory_space<vmem>>, vector<256x128xf32>
    %add3A_16 = arith.addf %add3A_12, %get3A_15 : vector<256x128xf32>
    %get3A_17 = arith.constant 1280 : index
    %get3A_18 = arith.constant 0 : index
    %get3A_19 = vector.load %arg2[%get3A_17, %get3A_18] : memref<8192x128xf32, #tpu.memory_space<vmem>>, vector<256x128xf32>
    %add3A_20 = arith.addf %add3A_16, %get3A_19 : vector<256x128xf32>
    %get3A_21 = arith.constant 1536 : index
    %get3A_22 = arith.constant 0 : index
    %get3A_23 = vector.load %arg2[%get3A_21, %get3A_22] : memref<8192x128xf32, #tpu.memory_space<vmem>>, vector<256x128xf32>
    %add3A_24 = arith.addf %add3A_20, %get3A_23 : vector<256x128xf32>
    %get3A_25 = arith.constant 1792 : index
    %get3A_26 = arith.constant 0 : index
    %get3A_27 = vector.load %arg2[%get3A_25, %get3A_26] : memref<8192x128xf32, #tpu.memory_space<vmem>>, vector<256x128xf32>
    %add3A_28 = arith.addf %add3A_24, %get3A_27 : vector<256x128xf32>
    %get3A_29 = arith.constant 2048 : index
    %get3A_30 = arith.constant 0 : index
    %get3A_31 = vector.load %arg2[%get3A_29, %get3A_30] : memref<8192x128xf32, #tpu.memory_space<vmem>>, vector<256x128xf32>
    %add3A_32 = arith.addf %add3A_28, %get3A_31 : vector<256x128xf32>
    %get3A_33 = arith.constant 2304 : index
    %get3A_34 = arith.constant 0 : index
    %get3A_35 = vector.load %arg2[%get3A_33, %get3A_34] : memref<8192x128xf32, #tpu.memory_space<vmem>>, vector<256x128xf32>
    %add3A_36 = arith.addf %add3A_32, %get3A_35 : vector<256x128xf32>
    %get3A_37 = arith.constant 2560 : index
    %get3A_38 = arith.constant 0 : index
    %get3A_39 = vector.load %arg2[%get3A_37, %get3A_38] : memref<8192x128xf32, #tpu.memory_space<vmem>>, vector<256x128xf32>
    %add3A_40 = arith.addf %add3A_36, %get3A_39 : vector<256x128xf32>
    %get3A_41 = arith.constant 2816 : index
    %get3A_42 = arith.constant 0 : index
    %get3A_43 = vector.load %arg2[%get3A_41, %get3A_42] : memref<8192x128xf32, #tpu.memory_space<vmem>>, vector<256x128xf32>
    %add3A_44 = arith.addf %add3A_40, %get3A_43 : vector<256x128xf32>
    %get3A_45 = arith.constant 3072 : index
    %get3A_46 = arith.constant 0 : index
    %get3A_47 = vector.load %arg2[%get3A_45, %get3A_46] : memref<8192x128xf32, #tpu.memory_space<vmem>>, vector<256x128xf32>
    %add3A_48 = arith.addf %add3A_44, %get3A_47 : vector<256x128xf32>
    %get3A_49 = arith.constant 3328 : index
    %get3A_50 = arith.constant 0 : index
    %get3A_51 = vector.load %arg2[%get3A_49, %get3A_50] : memref<8192x128xf32, #tpu.memory_space<vmem>>, vector<256x128xf32>
    %add3A_52 = arith.addf %add3A_48, %get3A_51 : vector<256x128xf32>
    %get3A_53 = arith.constant 3584 : index
    %get3A_54 = arith.constant 0 : index
    %get3A_55 = vector.load %arg2[%get3A_53, %get3A_54] : memref<8192x128xf32, #tpu.memory_space<vmem>>, vector<256x128xf32>
    %add3A_56 = arith.addf %add3A_52, %get3A_55 : vector<256x128xf32>
    %get3A_57 = arith.constant 3840 : index
    %get3A_58 = arith.constant 0 : index
    %get3A_59 = vector.load %arg2[%get3A_57, %get3A_58] : memref<8192x128xf32, #tpu.memory_space<vmem>>, vector<256x128xf32>
    %add3A_60 = arith.addf %add3A_56, %get3A_59 : vector<256x128xf32>
    %get3A_61 = arith.constant 4096 : index
    %get3A_62 = arith.constant 0 : index
    %get3A_63 = vector.load %arg2[%get3A_61, %get3A_62] : memref<8192x128xf32, #tpu.memory_space<vmem>>, vector<256x128xf32>
    %add3A_64 = arith.addf %add3A_60, %get3A_63 : vector<256x128xf32>
    %get3A_65 = arith.constant 4352 : index
    %get3A_66 = arith.constant 0 : index
    %get3A_67 = vector.load %arg2[%get3A_65, %get3A_66] : memref<8192x128xf32, #tpu.memory_space<vmem>>, vector<256x128xf32>
    %add3A_68 = arith.addf %add3A_64, %get3A_67 : vector<256x128xf32>
    %get3A_69 = arith.constant 4608 : index
    %get3A_70 = arith.constant 0 : index
    %get3A_71 = vector.load %arg2[%get3A_69, %get3A_70] : memref<8192x128xf32, #tpu.memory_space<vmem>>, vector<256x128xf32>
    %add3A_72 = arith.addf %add3A_68, %get3A_71 : vector<256x128xf32>
    %get3A_73 = arith.constant 4864 : index
    %get3A_74 = arith.constant 0 : index
    %get3A_75 = vector.load %arg2[%get3A_73, %get3A_74] : memref<8192x128xf32, #tpu.memory_space<vmem>>, vector<256x128xf32>
    %add3A_76 = arith.addf %add3A_72, %get3A_75 : vector<256x128xf32>
    %get3A_77 = arith.constant 5120 : index
    %get3A_78 = arith.constant 0 : index
    %get3A_79 = vector.load %arg2[%get3A_77, %get3A_78] : memref<8192x128xf32, #tpu.memory_space<vmem>>, vector<256x128xf32>
    %add3A_80 = arith.addf %add3A_76, %get3A_79 : vector<256x128xf32>
    %get3A_81 = arith.constant 5376 : index
    %get3A_82 = arith.constant 0 : index
    %get3A_83 = vector.load %arg2[%get3A_81, %get3A_82] : memref<8192x128xf32, #tpu.memory_space<vmem>>, vector<256x128xf32>
    %add3A_84 = arith.addf %add3A_80, %get3A_83 : vector<256x128xf32>
    %get3A_85 = arith.constant 5632 : index
    %get3A_86 = arith.constant 0 : index
    %get3A_87 = vector.load %arg2[%get3A_85, %get3A_86] : memref<8192x128xf32, #tpu.memory_space<vmem>>, vector<256x128xf32>
    %add3A_88 = arith.addf %add3A_84, %get3A_87 : vector<256x128xf32>
    %get3A_89 = arith.constant 5888 : index
    %get3A_90 = arith.constant 0 : index
    %get3A_91 = vector.load %arg2[%get3A_89, %get3A_90] : memref<8192x128xf32, #tpu.memory_space<vmem>>, vector<256x128xf32>
    %add3A_92 = arith.addf %add3A_88, %get3A_91 : vector<256x128xf32>
    %get3A_93 = arith.constant 6144 : index
    %get3A_94 = arith.constant 0 : index
    %get3A_95 = vector.load %arg2[%get3A_93, %get3A_94] : memref<8192x128xf32, #tpu.memory_space<vmem>>, vector<256x128xf32>
    %add3A_96 = arith.addf %add3A_92, %get3A_95 : vector<256x128xf32>
    %get3A_97 = arith.constant 6400 : index
    %get3A_98 = arith.constant 0 : index
    %get3A_99 = vector.load %arg2[%get3A_97, %get3A_98] : memref<8192x128xf32, #tpu.memory_space<vmem>>, vector<256x128xf32>
    %add3A_100 = arith.addf %add3A_96, %get3A_99 : vector<256x128xf32>
    %get3A_101 = arith.constant 6656 : index
    %get3A_102 = arith.constant 0 : index
    %get3A_103 = vector.load %arg2[%get3A_101, %get3A_102] : memref<8192x128xf32, #tpu.memory_space<vmem>>, vector<256x128xf32>
    %add3A_104 = arith.addf %add3A_100, %get3A_103 : vector<256x128xf32>
    %get3A_105 = arith.constant 6912 : index
    %get3A_106 = arith.constant 0 : index
    %get3A_107 = vector.load %arg2[%get3A_105, %get3A_106] : memref<8192x128xf32, #tpu.memory_space<vmem>>, vector<256x128xf32>
    %add3A_108 = arith.addf %add3A_104, %get3A_107 : vector<256x128xf32>
    %get3A_109 = arith.constant 7168 : index
    %get3A_110 = arith.constant 0 : index
    %get3A_111 = vector.load %arg2[%get3A_109, %get3A_110] : memref<8192x128xf32, #tpu.memory_space<vmem>>, vector<256x128xf32>
    %add3A_112 = arith.addf %add3A_108, %get3A_111 : vector<256x128xf32>
    %get3A_113 = arith.constant 7424 : index
    %get3A_114 = arith.constant 0 : index
    %get3A_115 = vector.load %arg2[%get3A_113, %get3A_114] : memref<8192x128xf32, #tpu.memory_space<vmem>>, vector<256x128xf32>
    %add3A_116 = arith.addf %add3A_112, %get3A_115 : vector<256x128xf32>
    %get3A_117 = arith.constant 7680 : index
    %get3A_118 = arith.constant 0 : index
    %get3A_119 = vector.load %arg2[%get3A_117, %get3A_118] : memref<8192x128xf32, #tpu.memory_space<vmem>>, vector<256x128xf32>
    %add3A_120 = arith.addf %add3A_116, %get3A_119 : vector<256x128xf32>
    %get3A_121 = arith.constant 7936 : index
    %get3A_122 = arith.constant 0 : index
    %get3A_123 = vector.load %arg2[%get3A_121, %get3A_122] : memref<8192x128xf32, #tpu.memory_space<vmem>>, vector<256x128xf32>
    %add3A_124 = arith.addf %add3A_120, %get3A_123 : vector<256x128xf32>
    %iota3A = tpu.iota {dimensions = array<i32: 0>} : vector<2048x256xi32>
    %jit3A = arith.constant 8 : i32
    %div3A = vector.broadcast %jit3A : i32 to vector<2048x256xi32>
    %div3A_125 = arith.divsi %iota3A, %div3A : vector<2048x256xi32>
    %sign3A = arith.constant 0 : i32
    %sign3A_126 = vector.broadcast %sign3A : i32 to vector<2048x256xi32>
    %sign3A_127 = arith.cmpi sgt, %iota3A, %sign3A_126 : vector<2048x256xi32>
    %sign3A_128 = arith.extui %sign3A_127 : vector<2048x256xi1> to vector<2048x256xi32>
    %sign3A_129 = arith.constant 0 : i32
    %sign3A_130 = vector.broadcast %sign3A_129 : i32 to vector<2048x256xi32>
    %sign3A_131 = arith.cmpi slt, %iota3A, %sign3A_130 : vector<2048x256xi32>
    %sign3A_132 = arith.extui %sign3A_131 : vector<2048x256xi1> to vector<2048x256xi32>
    %sign3A_133 = arith.subi %sign3A_128, %sign3A_132 : vector<2048x256xi32>
    %sign3A_134 = arith.constant 0 : i32
    %sign3A_135 = arith.cmpi sgt, %jit3A, %sign3A_134 : i32
    %sign3A_136 = arith.extui %sign3A_135 : i1 to i32
    %sign3A_137 = arith.constant 0 : i32
    %sign3A_138 = arith.cmpi slt, %jit3A, %sign3A_137 : i32
    %sign3A_139 = arith.extui %sign3A_138 : i1 to i32
    %sign3A_140 = arith.subi %sign3A_136, %sign3A_139 : i32
    %ne3A = vector.broadcast %sign3A_140 : i32 to vector<2048x256xi32>
    %ne3A_141 = arith.cmpi ne, %sign3A_133, %ne3A : vector<2048x256xi32>
    %rem3A = vector.broadcast %jit3A : i32 to vector<2048x256xi32>
    %rem3A_142 = arith.remsi %iota3A, %rem3A : vector<2048x256xi32>
    %ne3A_143 = arith.constant 0 : i32
    %ne3A_144 = vector.broadcast %ne3A_143 : i32 to vector<2048x256xi32>
    %ne3A_145 = arith.cmpi ne, %rem3A_142, %ne3A_144 : vector<2048x256xi32>
    %and3A = arith.andi %ne3A_141, %ne3A_145 : vector<2048x256xi1>
    %sub3A = arith.constant 1 : i32
    %sub3A_146 = vector.broadcast %sub3A : i32 to vector<2048x256xi32>
    %sub3A_147 = arith.subi %div3A_125, %sub3A_146 : vector<2048x256xi32>
    %select_n3A = arith.select %and3A, %sub3A_147, %div3A_125 : vector<2048x256xi1>, vector<2048x256xi32>
    %iota3A_148 = tpu.iota {dimensions = array<i32: 1>} : vector<2048x256xi32>
    %eq3A = arith.cmpi eq, %select_n3A, %iota3A_148 : vector<2048x256xi32>
    %convert_element_type3A = arith.extui %eq3A : vector<2048x256xi1> to vector<2048x256xi32>
    %convert_element_type3A_149 = arith.sitofp %convert_element_type3A : vector<2048x256xi32> to vector<2048x256xf32>
    %dot_general3A = arith.constant dense<0.000000e+00> : vector<2048x128xf32>
    %dot_general3A_150 = tpu.matmul %convert_element_type3A_149, %add3A_124, %dot_general3A {dimension_numbers = #tpu.dot_dimension_numbers<[1], [0], [0], [1], [0, 0, 1, 1], [], []>, precision = #tpu.contract_precision<fp32>, transpose_lhs_hint = false} : vector<2048x256xf32>, vector<256x128xf32>, vector<2048x128xf32> -> vector<2048x128xf32>
    %iota3A_151 = tpu.iota {dimensions = array<i32: 0>} : vector<2048x1xi32>
    %and3A_152 = arith.constant 7 : i32
    %and3A_153 = vector.broadcast %and3A_152 : i32 to vector<2048x1xi32>
    %and3A_154 = arith.andi %iota3A_151, %and3A_153 : vector<2048x1xi32>
    %iota3A_155 = tpu.iota {dimensions = array<i32: 1>} : vector<2048x128xi32>
    %get3A_156 = arith.constant 0 : index
    %get3A_157 = arith.constant 0 : index
    %get3A_158 = vector.load %arg0[%get3A_156, %get3A_157] : memref<2048x128xf32, #tpu.memory_space<vmem>>, vector<2048x128xf32>
    %get3A_159 = arith.constant 0 : index
    %get3A_160 = arith.constant 0 : index
    %get3A_161 = vector.load %arg1[%get3A_159, %get3A_160] : memref<2048x128xf32, #tpu.memory_space<vmem>>, vector<2048x128xf32>
    %mul3A = arith.constant 16 : i32
    %mul3A_162 = vector.broadcast %mul3A : i32 to vector<2048x1xi32>
    %mul3A_163 = arith.muli %and3A_154, %mul3A_162 : vector<2048x1xi32>
    %add3A_164 = arith.constant 0 : i32
    %add3A_165 = vector.broadcast %add3A_164 : i32 to vector<2048x1xi32>
    %add3A_166 = arith.addi %mul3A_163, %add3A_165 : vector<2048x1xi32>
    %eq3A_167 = vector.broadcast %add3A_166 : vector<2048x1xi32> to vector<2048x128xi32>
    %eq3A_168 = arith.cmpi eq, %iota3A_155, %eq3A_167 : vector<2048x128xi32>
    %jit3A_169 = arith.constant 0.000000e+00 : f32
    %broadcast_in_dim3A = vector.broadcast %jit3A_169 : f32 to vector<2048x128xf32>
    %select_n3A_170 = arith.select %eq3A_168, %dot_general3A_150, %broadcast_in_dim3A : vector<2048x128xi1>, vector<2048x128xf32>
    %reduce_sum3A = arith.constant dense<0.000000e+00> : vector<2048xf32>
    %reduce_sum3A_171 = vector.multi_reduction <add>, %select_n3A_170, %reduce_sum3A [1] : vector<2048x128xf32> to vector<2048xf32>
    %broadcast_in_dim3A_172 = vector.shape_cast %reduce_sum3A_171 : vector<2048xf32> to vector<2048x1xf32>
    %mul3A_173 = arith.constant 16 : i32
    %mul3A_174 = vector.broadcast %mul3A_173 : i32 to vector<2048x1xi32>
    %mul3A_175 = arith.muli %and3A_154, %mul3A_174 : vector<2048x1xi32>
    %add3A_176 = arith.constant 1 : i32
    %add3A_177 = vector.broadcast %add3A_176 : i32 to vector<2048x1xi32>
    %add3A_178 = arith.addi %mul3A_175, %add3A_177 : vector<2048x1xi32>
    %eq3A_179 = vector.broadcast %add3A_178 : vector<2048x1xi32> to vector<2048x128xi32>
    %eq3A_180 = arith.cmpi eq, %iota3A_155, %eq3A_179 : vector<2048x128xi32>
    %jit3A_181 = arith.constant 0.000000e+00 : f32
    %broadcast_in_dim3A_182 = vector.broadcast %jit3A_181 : f32 to vector<2048x128xf32>
    %select_n3A_183 = arith.select %eq3A_180, %dot_general3A_150, %broadcast_in_dim3A_182 : vector<2048x128xi1>, vector<2048x128xf32>
    %reduce_sum3A_184 = arith.constant dense<0.000000e+00> : vector<2048xf32>
    %reduce_sum3A_185 = vector.multi_reduction <add>, %select_n3A_183, %reduce_sum3A_184 [1] : vector<2048x128xf32> to vector<2048xf32>
    %broadcast_in_dim3A_186 = vector.shape_cast %reduce_sum3A_185 : vector<2048xf32> to vector<2048x1xf32>
    %mul3A_187 = arith.constant 16 : i32
    %mul3A_188 = vector.broadcast %mul3A_187 : i32 to vector<2048x1xi32>
    %mul3A_189 = arith.muli %and3A_154, %mul3A_188 : vector<2048x1xi32>
    %add3A_190 = arith.constant 2 : i32
    %add3A_191 = vector.broadcast %add3A_190 : i32 to vector<2048x1xi32>
    %add3A_192 = arith.addi %mul3A_189, %add3A_191 : vector<2048x1xi32>
    %eq3A_193 = vector.broadcast %add3A_192 : vector<2048x1xi32> to vector<2048x128xi32>
    %eq3A_194 = arith.cmpi eq, %iota3A_155, %eq3A_193 : vector<2048x128xi32>
    %jit3A_195 = arith.constant 0.000000e+00 : f32
    %broadcast_in_dim3A_196 = vector.broadcast %jit3A_195 : f32 to vector<2048x128xf32>
    %select_n3A_197 = arith.select %eq3A_194, %dot_general3A_150, %broadcast_in_dim3A_196 : vector<2048x128xi1>, vector<2048x128xf32>
    %reduce_sum3A_198 = arith.constant dense<0.000000e+00> : vector<2048xf32>
    %reduce_sum3A_199 = vector.multi_reduction <add>, %select_n3A_197, %reduce_sum3A_198 [1] : vector<2048x128xf32> to vector<2048xf32>
    %broadcast_in_dim3A_200 = vector.shape_cast %reduce_sum3A_199 : vector<2048xf32> to vector<2048x1xf32>
    %mul3A_201 = arith.constant 16 : i32
    %mul3A_202 = vector.broadcast %mul3A_201 : i32 to vector<2048x1xi32>
    %mul3A_203 = arith.muli %and3A_154, %mul3A_202 : vector<2048x1xi32>
    %add3A_204 = arith.constant 3 : i32
    %add3A_205 = vector.broadcast %add3A_204 : i32 to vector<2048x1xi32>
    %add3A_206 = arith.addi %mul3A_203, %add3A_205 : vector<2048x1xi32>
    %eq3A_207 = vector.broadcast %add3A_206 : vector<2048x1xi32> to vector<2048x128xi32>
    %eq3A_208 = arith.cmpi eq, %iota3A_155, %eq3A_207 : vector<2048x128xi32>
    %jit3A_209 = arith.constant 0.000000e+00 : f32
    %broadcast_in_dim3A_210 = vector.broadcast %jit3A_209 : f32 to vector<2048x128xf32>
    %select_n3A_211 = arith.select %eq3A_208, %dot_general3A_150, %broadcast_in_dim3A_210 : vector<2048x128xi1>, vector<2048x128xf32>
    %reduce_sum3A_212 = arith.constant dense<0.000000e+00> : vector<2048xf32>
    %reduce_sum3A_213 = vector.multi_reduction <add>, %select_n3A_211, %reduce_sum3A_212 [1] : vector<2048x128xf32> to vector<2048xf32>
    %broadcast_in_dim3A_214 = vector.shape_cast %reduce_sum3A_213 : vector<2048xf32> to vector<2048x1xf32>
    %ge3A = arith.constant 3.000000e+00 : f32
    %ge3A_215 = vector.broadcast %ge3A : f32 to vector<2048x1xf32>
    %ge3A_216 = arith.cmpf oge, %broadcast_in_dim3A_214, %ge3A_215 : vector<2048x1xf32>
    %convert_element_type3A_217 = arith.extui %ge3A_216 : vector<2048x1xi1> to vector<2048x1xi32>
    %convert_element_type3A_218 = arith.sitofp %convert_element_type3A_217 : vector<2048x1xi32> to vector<2048x1xf32>
    %max3A = arith.constant 1.000000e+00 : f32
    %max3A_219 = vector.broadcast %max3A : f32 to vector<2048x1xf32>
    %max3A_220 = arith.maximumf %broadcast_in_dim3A_214, %max3A_219 : vector<2048x1xf32>
    %mul3A_221 = vector.broadcast %convert_element_type3A_218 : vector<2048x1xf32> to vector<2048x128xf32>
    %mul3A_222 = arith.mulf %mul3A_221, %get3A_158 : vector<2048x128xf32>
    %div3A_223 = vector.broadcast %max3A_220 : vector<2048x1xf32> to vector<2048x128xf32>
    %div3A_224 = arith.divf %mul3A_222, %div3A_223 : vector<2048x128xf32>
    %mul3A_225 = arith.mulf %div3A_224, %div3A_224 : vector<2048x128xf32>
    %reduce_sum3A_226 = arith.constant dense<0.000000e+00> : vector<2048xf32>
    %reduce_sum3A_227 = vector.multi_reduction <add>, %mul3A_225, %reduce_sum3A_226 [1] : vector<2048x128xf32> to vector<2048xf32>
    %broadcast_in_dim3A_228 = vector.shape_cast %reduce_sum3A_227 : vector<2048xf32> to vector<2048x1xf32>
    %max3A_229 = arith.constant 1.000000e-24 : f32
    %max3A_230 = vector.broadcast %max3A_229 : f32 to vector<2048x1xf32>
    %max3A_231 = arith.maximumf %broadcast_in_dim3A_228, %max3A_230 : vector<2048x1xf32>
    %sqrt3A = math.sqrt %max3A_231 : vector<2048x1xf32>
    %div3A_232 = vector.broadcast %sqrt3A : vector<2048x1xf32> to vector<2048x128xf32>
    %div3A_233 = arith.divf %div3A_224, %div3A_232 : vector<2048x128xf32>
    %mul3A_234 = arith.mulf %get3A_161, %div3A_233 : vector<2048x128xf32>
    %reduce_sum3A_235 = arith.constant dense<0.000000e+00> : vector<2048xf32>
    %reduce_sum3A_236 = vector.multi_reduction <add>, %mul3A_234, %reduce_sum3A_235 [1] : vector<2048x128xf32> to vector<2048xf32>
    %broadcast_in_dim3A_237 = vector.shape_cast %reduce_sum3A_236 : vector<2048xf32> to vector<2048x1xf32>
    %sub3A_238 = arith.subf %broadcast_in_dim3A_214, %broadcast_in_dim3A_237 : vector<2048x1xf32>
    %mul3A_239 = arith.mulf %convert_element_type3A_218, %sub3A_238 : vector<2048x1xf32>
    %div3A_240 = arith.divf %mul3A_239, %max3A_220 : vector<2048x1xf32>
    %mul3A_241 = arith.mulf %broadcast_in_dim3A_214, %convert_element_type3A_218 : vector<2048x1xf32>
    %reduce_sum3A_242 = vector.shape_cast %mul3A_241 : vector<2048x1xf32> to vector<1x2048x1xf32>
    %reduce_sum3A_243 = arith.constant dense<0.000000e+00> : vector<1xf32>
    %reduce_sum3A_244 = vector.multi_reduction <add>, %reduce_sum3A_242, %reduce_sum3A_243 [1, 2] : vector<1x2048x1xf32> to vector<1xf32>
    %reduce_sum3A_245 = vector.shape_cast %reduce_sum3A_244 : vector<1xf32> to vector<1x1x1xf32>
    %reduce_sum3A_246 = vector.extract %reduce_sum3A_245[0, 0, 0] : f32 from vector<1x1x1xf32>
    %mul3A_247 = arith.mulf %div3A_240, %mul3A_241 : vector<2048x1xf32>
    %mul3A_248 = arith.mulf %mul3A_247, %convert_element_type3A_218 : vector<2048x1xf32>
    %reduce_sum3A_249 = vector.shape_cast %mul3A_248 : vector<2048x1xf32> to vector<1x2048x1xf32>
    %reduce_sum3A_250 = arith.constant dense<0.000000e+00> : vector<1xf32>
    %reduce_sum3A_251 = vector.multi_reduction <add>, %reduce_sum3A_249, %reduce_sum3A_250 [1, 2] : vector<1x2048x1xf32> to vector<1xf32>
    %reduce_sum3A_252 = vector.shape_cast %reduce_sum3A_251 : vector<1xf32> to vector<1x1x1xf32>
    %reduce_sum3A_253 = vector.extract %reduce_sum3A_252[0, 0, 0] : f32 from vector<1x1x1xf32>
    %div3A_254 = arith.divf %reduce_sum3A_253, %reduce_sum3A_246 : f32
    %mul3A_255 = arith.mulf %convert_element_type3A_218, %broadcast_in_dim3A_186 : vector<2048x1xf32>
    %div3A_256 = arith.divf %mul3A_255, %max3A_220 : vector<2048x1xf32>
    %mul3A_257 = arith.mulf %div3A_256, %div3A_256 : vector<2048x1xf32>
    %max3A_258 = arith.constant 1.000000e-24 : f32
    %max3A_259 = vector.broadcast %max3A_258 : f32 to vector<2048x1xf32>
    %max3A_260 = arith.maximumf %mul3A_257, %max3A_259 : vector<2048x1xf32>
    %sqrt3A_261 = math.sqrt %max3A_260 : vector<2048x1xf32>
    %max3A_262 = arith.constant 9.99999996E-13 : f32
    %max3A_263 = vector.broadcast %max3A_262 : f32 to vector<2048x1xf32>
    %max3A_264 = arith.maximumf %sqrt3A_261, %max3A_263 : vector<2048x1xf32>
    %div3A_265 = arith.divf %div3A_256, %max3A_264 : vector<2048x1xf32>
    %mul3A_266 = arith.mulf %div3A_265, %broadcast_in_dim3A_200 : vector<2048x1xf32>
    %sub3A_267 = arith.subf %broadcast_in_dim3A_214, %mul3A_266 : vector<2048x1xf32>
    %mul3A_268 = arith.mulf %convert_element_type3A_218, %sub3A_267 : vector<2048x1xf32>
    %div3A_269 = arith.divf %mul3A_268, %max3A_220 : vector<2048x1xf32>
    %mul3A_270 = arith.mulf %div3A_269, %mul3A_241 : vector<2048x1xf32>
    %mul3A_271 = arith.mulf %mul3A_270, %convert_element_type3A_218 : vector<2048x1xf32>
    %reduce_sum3A_272 = vector.shape_cast %mul3A_271 : vector<2048x1xf32> to vector<1x2048x1xf32>
    %reduce_sum3A_273 = arith.constant dense<0.000000e+00> : vector<1xf32>
    %reduce_sum3A_274 = vector.multi_reduction <add>, %reduce_sum3A_272, %reduce_sum3A_273 [1, 2] : vector<1x2048x1xf32> to vector<1xf32>
    %reduce_sum3A_275 = vector.shape_cast %reduce_sum3A_274 : vector<1xf32> to vector<1x1x1xf32>
    %reduce_sum3A_276 = vector.extract %reduce_sum3A_275[0, 0, 0] : f32 from vector<1x1x1xf32>
    %div3A_277 = arith.divf %reduce_sum3A_276, %reduce_sum3A_246 : f32
    %gt3A = arith.constant 0.000000e+00 : f32
    %gt3A_278 = vector.broadcast %gt3A : f32 to vector<2048x1xf32>
    %gt3A_279 = arith.cmpf ogt, %broadcast_in_dim3A_214, %gt3A_278 : vector<2048x1xf32>
    %convert_element_type3A_280 = arith.extui %gt3A_279 : vector<2048x1xi1> to vector<2048x1xi32>
    %convert_element_type3A_281 = arith.sitofp %convert_element_type3A_280 : vector<2048x1xi32> to vector<2048x1xf32>
    %mul3A_282 = vector.broadcast %convert_element_type3A_281 : vector<2048x1xf32> to vector<2048x128xf32>
    %mul3A_283 = arith.mulf %mul3A_282, %get3A_158 : vector<2048x128xf32>
    %div3A_284 = vector.broadcast %max3A_220 : vector<2048x1xf32> to vector<2048x128xf32>
    %div3A_285 = arith.divf %mul3A_283, %div3A_284 : vector<2048x128xf32>
    %mul3A_286 = arith.mulf %convert_element_type3A_281, %broadcast_in_dim3A_172 : vector<2048x1xf32>
    %div3A_287 = arith.divf %mul3A_286, %max3A_220 : vector<2048x1xf32>
    %mul3A_288 = arith.mulf %div3A_285, %div3A_285 : vector<2048x128xf32>
    %reduce_sum3A_289 = arith.constant dense<0.000000e+00> : vector<2048xf32>
    %reduce_sum3A_290 = vector.multi_reduction <add>, %mul3A_288, %reduce_sum3A_289 [1] : vector<2048x128xf32> to vector<2048xf32>
    %broadcast_in_dim3A_291 = vector.shape_cast %reduce_sum3A_290 : vector<2048xf32> to vector<2048x1xf32>
    %mul3A_292 = arith.mulf %div3A_287, %div3A_287 : vector<2048x1xf32>
    %add3A_293 = arith.addf %broadcast_in_dim3A_291, %mul3A_292 : vector<2048x1xf32>
    %max3A_294 = arith.constant 1.000000e-24 : f32
    %max3A_295 = vector.broadcast %max3A_294 : f32 to vector<2048x1xf32>
    %max3A_296 = arith.maximumf %add3A_293, %max3A_295 : vector<2048x1xf32>
    %sqrt3A_297 = math.sqrt %max3A_296 : vector<2048x1xf32>
    %div3A_298 = arith.constant 1.000000e+00 : f32
    %div3A_299 = vector.broadcast %div3A_298 : f32 to vector<2048x1xf32>
    %div3A_300 = arith.divf %div3A_299, %sqrt3A_297 : vector<2048x1xf32>
    %mul3A_301 = vector.broadcast %div3A_300 : vector<2048x1xf32> to vector<2048x128xf32>
    %mul3A_302 = arith.mulf %div3A_285, %mul3A_301 : vector<2048x128xf32>
    %mul3A_303 = arith.mulf %div3A_287, %div3A_300 : vector<2048x1xf32>
    %reduce_sum3A_304 = arith.constant dense<0.000000e+00> : vector<128xf32>
    %reduce_sum3A_305 = vector.multi_reduction <add>, %mul3A_302, %reduce_sum3A_304 [0] : vector<2048x128xf32> to vector<128xf32>
    %broadcast_in_dim3A_306 = vector.shape_cast %reduce_sum3A_305 : vector<128xf32> to vector<1x128xf32>
    %reduce_sum3A_307 = vector.shape_cast %mul3A_303 : vector<2048x1xf32> to vector<1x2048x1xf32>
    %reduce_sum3A_308 = arith.constant dense<0.000000e+00> : vector<1xf32>
    %reduce_sum3A_309 = vector.multi_reduction <add>, %reduce_sum3A_307, %reduce_sum3A_308 [1, 2] : vector<1x2048x1xf32> to vector<1xf32>
    %reduce_sum3A_310 = vector.shape_cast %reduce_sum3A_309 : vector<1xf32> to vector<1x1x1xf32>
    %reduce_sum3A_311 = vector.extract %reduce_sum3A_310[0, 0, 0] : f32 from vector<1x1x1xf32>
    %mul3A_312 = arith.mulf %broadcast_in_dim3A_306, %broadcast_in_dim3A_306 : vector<1x128xf32>
    %reduce_sum3A_313 = vector.shape_cast %mul3A_312 : vector<1x128xf32> to vector<1x1x128xf32>
    %reduce_sum3A_314 = arith.constant dense<0.000000e+00> : vector<1xf32>
    %reduce_sum3A_315 = vector.multi_reduction <add>, %reduce_sum3A_313, %reduce_sum3A_314 [1, 2] : vector<1x1x128xf32> to vector<1xf32>
    %reduce_sum3A_316 = vector.shape_cast %reduce_sum3A_315 : vector<1xf32> to vector<1x1x1xf32>
    %reduce_sum3A_317 = vector.extract %reduce_sum3A_316[0, 0, 0] : f32 from vector<1x1x1xf32>
    %mul3A_318 = arith.mulf %reduce_sum3A_311, %reduce_sum3A_311 : f32
    %add3A_319 = arith.addf %reduce_sum3A_317, %mul3A_318 : f32
    %mul3A_320 = arith.mulf %mul3A_302, %mul3A_302 : vector<2048x128xf32>
    %reduce_sum3A_321 = vector.shape_cast %mul3A_320 : vector<2048x128xf32> to vector<1x2048x128xf32>
    %reduce_sum3A_322 = arith.constant dense<0.000000e+00> : vector<1xf32>
    %reduce_sum3A_323 = vector.multi_reduction <add>, %reduce_sum3A_321, %reduce_sum3A_322 [1, 2] : vector<1x2048x128xf32> to vector<1xf32>
    %reduce_sum3A_324 = vector.shape_cast %reduce_sum3A_323 : vector<1xf32> to vector<1x1x1xf32>
    %reduce_sum3A_325 = vector.extract %reduce_sum3A_324[0, 0, 0] : f32 from vector<1x1x1xf32>
    %mul3A_326 = arith.mulf %mul3A_303, %mul3A_303 : vector<2048x1xf32>
    %reduce_sum3A_327 = vector.shape_cast %mul3A_326 : vector<2048x1xf32> to vector<1x2048x1xf32>
    %reduce_sum3A_328 = arith.constant dense<0.000000e+00> : vector<1xf32>
    %reduce_sum3A_329 = vector.multi_reduction <add>, %reduce_sum3A_327, %reduce_sum3A_328 [1, 2] : vector<1x2048x1xf32> to vector<1xf32>
    %reduce_sum3A_330 = vector.shape_cast %reduce_sum3A_329 : vector<1xf32> to vector<1x1x1xf32>
    %reduce_sum3A_331 = vector.extract %reduce_sum3A_330[0, 0, 0] : f32 from vector<1x1x1xf32>
    %add3A_332 = arith.addf %reduce_sum3A_325, %reduce_sum3A_331 : f32
    %sub3A_333 = arith.subf %add3A_319, %add3A_332 : f32
    %div3A_334 = arith.constant 3.998000e+06 : f32
    %div3A_335 = arith.divf %sub3A_333, %div3A_334 : f32
    %add3A_336 = arith.addf %div3A_254, %div3A_277 : f32
    %mul3A_337 = arith.constant 2.000000e-01 : f32
    %mul3A_338 = arith.mulf %mul3A_337, %div3A_335 : f32
    %add3A_339 = arith.addf %add3A_336, %mul3A_338 : f32
    %mul3A_340 = arith.constant 3.000000e-02 : f32
    %mul3A_341 = arith.mulf %mul3A_340, %add3A_339 : f32
    %mul3A_342 = arith.constant 5.000000e-02 : f32
    %mul3A_343 = arith.mulf %mul3A_341, %mul3A_342 : f32
    %reshape3A = vector.broadcast %mul3A_343 : f32 to vector<1x1xf32>
    %swap3A = arith.constant 0 : index
    %swap3A_344 = arith.constant 0 : index
    %swap3A_345 = vector.load %arg3[%swap3A, %swap3A_344] : memref<1x1xf32, #tpu.memory_space<vmem>>, vector<1x1xf32>
    tpu.vector_store %arg3[%swap3A, %swap3A_344], %reshape3A {strides = array<i32>} : memref<1x1xf32, #tpu.memory_space<vmem>>, vector<1x1xf32>,
    return
  }
}

module attributes {stable_mosaic.version = 14 : i64} {
  func.func @_stage_a_body(%arg0: i32, %arg1: memref<1x20x128xf32, #tpu.memory_space<vmem>>, %arg2: memref<2560x128xf32, #tpu.memory_space<vmem>>, %arg3: memref<3x2560x128xf32, #tpu.memory_space<vmem>>, %arg4: memref<1x128xf32, #tpu.memory_space<vmem>>, %arg5: memref<1x128xf32, #tpu.memory_space<vmem>>, %arg6: memref<128x128xf32, #tpu.memory_space<vmem>>, %arg7: memref<1x128xf32, #tpu.memory_space<vmem>>, %arg8: memref<128x128xf32, #tpu.memory_space<vmem>>, %arg9: memref<2048x128xf32, #tpu.memory_space<vmem>>, %arg10: memref<2048x128xf32, #tpu.memory_space<vmem>>, %arg11: memref<327680xf32, #tpu.memory_space<vmem>>) attributes {dimension_semantics = [#tpu.dimension_semantics<arbitrary>], iteration_bounds = array<i64: 40>, scalar_prefetch = 0 : i64, scratch_operands = 0 : i64, tpu.core_type = #tpu.core_type<tc>, window_params = [{transform_indices = @transform_0, window_bounds = array<i64: 1, 20, 128>}, {transform_indices = @transform_1, window_bounds = array<i64: 2560, 128>}, {transform_indices = @transform_2, window_bounds = array<i64: 3, 2560, 128>}, {pipeline_mode = #tpu.pipeline_mode<synchronous>, transform_indices = @transform_3, window_bounds = array<i64: 1, 128>}, {pipeline_mode = #tpu.pipeline_mode<synchronous>, transform_indices = @transform_4, window_bounds = array<i64: 1, 128>}, {pipeline_mode = #tpu.pipeline_mode<synchronous>, transform_indices = @transform_5, window_bounds = array<i64: 128, 128>}, {pipeline_mode = #tpu.pipeline_mode<synchronous>, transform_indices = @transform_6, window_bounds = array<i64: 1, 128>}, {pipeline_mode = #tpu.pipeline_mode<synchronous>, transform_indices = @transform_7, window_bounds = array<i64: 128, 128>}, {pipeline_mode = #tpu.pipeline_mode<synchronous>, transform_indices = @transform_8, window_bounds = array<i64: 2048, 128>}, {pipeline_mode = #tpu.pipeline_mode<synchronous>, transform_indices = @transform_9, window_bounds = array<i64: 2048, 128>}, {transform_indices = @transform_10, window_bounds = array<i64: 327680>}]} {
    %eq3A = arith.constant 0 : i32
    %eq3A_0 = arith.cmpi eq, %arg0, %eq3A : i32
    %convert_element_type3A = arith.extui %eq3A_0 : i1 to i32
    %cond3A = arith.constant 0 : i32
    %cond3A_1 = arith.cmpi ne, %convert_element_type3A, %cond3A : i32
    scf.if %cond3A_1 {
      %broadcast_in_dim3A_355 = arith.constant 0.000000e+00 : f32
      %broadcast_in_dim3A_356 = vector.broadcast %broadcast_in_dim3A_355 : f32 to vector<2048x128xf32>
      %swap3A_357 = arith.constant 0 : index
      %swap3A_358 = arith.constant 0 : index
      %swap3A_359 = vector.load %arg9[%swap3A_357, %swap3A_358] : memref<2048x128xf32, #tpu.memory_space<vmem>>, vector<2048x128xf32>
      tpu.vector_store %arg9[%swap3A_357, %swap3A_358], %broadcast_in_dim3A_356 {strides = array<i32>} : memref<2048x128xf32, #tpu.memory_space<vmem>>, vector<2048x128xf32>,
      %broadcast_in_dim3A_360 = arith.constant 0.000000e+00 : f32
      %broadcast_in_dim3A_361 = vector.broadcast %broadcast_in_dim3A_360 : f32 to vector<2048x128xf32>
      %swap3A_362 = arith.constant 0 : index
      %swap3A_363 = arith.constant 0 : index
      %swap3A_364 = vector.load %arg10[%swap3A_362, %swap3A_363] : memref<2048x128xf32, #tpu.memory_space<vmem>>, vector<2048x128xf32>
      tpu.vector_store %arg10[%swap3A_362, %swap3A_363], %broadcast_in_dim3A_361 {strides = array<i32>} : memref<2048x128xf32, #tpu.memory_space<vmem>>, vector<2048x128xf32>,
    } else {
    }
    %get3A = arith.constant 0 : index
    %get3A_2 = arith.constant 0 : index
    %get3A_3 = vector.load %arg2[%get3A, %get3A_2] : memref<2560x128xf32, #tpu.memory_space<vmem>>, vector<2560x128xf32>
    %reduce_sum3A = arith.constant dense<0.000000e+00> : vector<2560xf32>
    %reduce_sum3A_4 = vector.multi_reduction <add>, %get3A_3, %reduce_sum3A [1] : vector<2560x128xf32> to vector<2560xf32>
    %broadcast_in_dim3A = vector.shape_cast %reduce_sum3A_4 : vector<2560xf32> to vector<2560x1xf32>
    %div3A = arith.constant 1.280000e+02 : f32
    %div3A_5 = vector.broadcast %div3A : f32 to vector<2560x1xf32>
    %div3A_6 = arith.divf %broadcast_in_dim3A, %div3A_5 : vector<2560x1xf32>
    %sub3A = vector.broadcast %div3A_6 : vector<2560x1xf32> to vector<2560x128xf32>
    %sub3A_7 = arith.subf %get3A_3, %sub3A : vector<2560x128xf32>
    %mul3A = arith.mulf %sub3A_7, %sub3A_7 : vector<2560x128xf32>
    %reduce_sum3A_8 = arith.constant dense<0.000000e+00> : vector<2560xf32>
    %reduce_sum3A_9 = vector.multi_reduction <add>, %mul3A, %reduce_sum3A_8 [1] : vector<2560x128xf32> to vector<2560xf32>
    %broadcast_in_dim3A_10 = vector.shape_cast %reduce_sum3A_9 : vector<2560xf32> to vector<2560x1xf32>
    %div3A_11 = arith.constant 1.280000e+02 : f32
    %div3A_12 = vector.broadcast %div3A_11 : f32 to vector<2560x1xf32>
    %div3A_13 = arith.divf %broadcast_in_dim3A_10, %div3A_12 : vector<2560x1xf32>
    %add3A = arith.constant 9.99999974E-6 : f32
    %add3A_14 = vector.broadcast %add3A : f32 to vector<2560x1xf32>
    %add3A_15 = arith.addf %div3A_13, %add3A_14 : vector<2560x1xf32>
    %sqrt3A = math.sqrt %add3A_15 : vector<2560x1xf32>
    %div3A_16 = vector.broadcast %sqrt3A : vector<2560x1xf32> to vector<2560x128xf32>
    %div3A_17 = arith.divf %sub3A_7, %div3A_16 : vector<2560x128xf32>
    %get3A_18 = arith.constant 0 : index
    %get3A_19 = arith.constant 0 : index
    %get3A_20 = vector.load %arg4[%get3A_18, %get3A_19] : memref<1x128xf32, #tpu.memory_space<vmem>>, vector<1x128xf32>
    %mul3A_21 = vector.broadcast %get3A_20 : vector<1x128xf32> to vector<2560x128xf32>
    %mul3A_22 = arith.mulf %div3A_17, %mul3A_21 : vector<2560x128xf32>
    %get3A_23 = arith.constant 0 : index
    %get3A_24 = arith.constant 0 : index
    %get3A_25 = vector.load %arg5[%get3A_23, %get3A_24] : memref<1x128xf32, #tpu.memory_space<vmem>>, vector<1x128xf32>
    %add3A_26 = vector.broadcast %get3A_25 : vector<1x128xf32> to vector<2560x128xf32>
    %add3A_27 = arith.addf %mul3A_22, %add3A_26 : vector<2560x128xf32>
    %get3A_28 = arith.constant 0 : index
    %get3A_29 = arith.constant 0 : index
    %get3A_30 = vector.load %arg6[%get3A_28, %get3A_29] : memref<128x128xf32, #tpu.memory_space<vmem>>, vector<128x128xf32>
    %dot_general3A = arith.constant dense<0.000000e+00> : vector<2560x128xf32>
    %dot_general3A_31 = tpu.matmul %add3A_27, %get3A_30, %dot_general3A {dimension_numbers = #tpu.dot_dimension_numbers<[1], [1], [0], [0], [0, 0, 1, 0], [], []>, transpose_lhs_hint = false} : vector<2560x128xf32>, vector<128x128xf32>, vector<2560x128xf32> -> vector<2560x128xf32>
    %get3A_32 = arith.constant 0 : index
    %get3A_33 = arith.constant 0 : index
    %get3A_34 = vector.load %arg7[%get3A_32, %get3A_33] : memref<1x128xf32, #tpu.memory_space<vmem>>, vector<1x128xf32>
    %add3A_35 = vector.broadcast %get3A_34 : vector<1x128xf32> to vector<2560x128xf32>
    %add3A_36 = arith.addf %dot_general3A_31, %add3A_35 : vector<2560x128xf32>
    %logistic3A = arith.negf %add3A_36 : vector<2560x128xf32>
    %logistic3A_37 = math.exp %logistic3A : vector<2560x128xf32>
    %logistic3A_38 = arith.constant 1.000000e+00 : f32
    %logistic3A_39 = vector.broadcast %logistic3A_38 : f32 to vector<2560x128xf32>
    %logistic3A_40 = arith.addf %logistic3A_39, %logistic3A_37 : vector<2560x128xf32>
    %logistic3A_41 = arith.divf %logistic3A_39, %logistic3A_40 : vector<2560x128xf32>
    %mul3A_42 = arith.mulf %add3A_36, %logistic3A_41 : vector<2560x128xf32>
    %mul3A_43 = arith.mulf %mul3A_42, %mul3A_42 : vector<2560x128xf32>
    %reduce_sum3A_44 = arith.constant dense<0.000000e+00> : vector<2560xf32>
    %reduce_sum3A_45 = vector.multi_reduction <add>, %mul3A_43, %reduce_sum3A_44 [1] : vector<2560x128xf32> to vector<2560xf32>
    %broadcast_in_dim3A_46 = vector.shape_cast %reduce_sum3A_45 : vector<2560xf32> to vector<2560x1xf32>
    %max3A = arith.constant 1.000000e-24 : f32
    %max3A_47 = vector.broadcast %max3A : f32 to vector<2560x1xf32>
    %max3A_48 = arith.maximumf %broadcast_in_dim3A_46, %max3A_47 : vector<2560x1xf32>
    %sqrt3A_49 = math.sqrt %max3A_48 : vector<2560x1xf32>
    %div3A_50 = vector.broadcast %sqrt3A_49 : vector<2560x1xf32> to vector<2560x128xf32>
    %div3A_51 = arith.divf %mul3A_42, %div3A_50 : vector<2560x128xf32>
    %get3A_52 = arith.constant 0 : index
    %get3A_53 = arith.constant 0 : index
    %get3A_54 = arith.constant 0 : index
    %get3A_55 = vector.load %arg3[%get3A_52, %get3A_53, %get3A_54] : memref<3x2560x128xf32, #tpu.memory_space<vmem>>, vector<1x2560x128xf32>
    %get3A_56 = vector.shape_cast %get3A_55 : vector<1x2560x128xf32> to vector<2560x128xf32>
    %get3A_57 = arith.constant 1 : index
    %get3A_58 = arith.constant 0 : index
    %get3A_59 = arith.constant 0 : index
    %get3A_60 = vector.load %arg3[%get3A_57, %get3A_58, %get3A_59] : memref<3x2560x128xf32, #tpu.memory_space<vmem>>, vector<1x2560x128xf32>
    %get3A_61 = vector.shape_cast %get3A_60 : vector<1x2560x128xf32> to vector<2560x128xf32>
    %get3A_62 = arith.constant 2 : index
    %get3A_63 = arith.constant 0 : index
    %get3A_64 = arith.constant 0 : index
    %get3A_65 = vector.load %arg3[%get3A_62, %get3A_63, %get3A_64] : memref<3x2560x128xf32, #tpu.memory_space<vmem>>, vector<1x2560x128xf32>
    %get3A_66 = vector.shape_cast %get3A_65 : vector<1x2560x128xf32> to vector<2560x128xf32>
    %mul3A_67 = arith.mulf %get3A_56, %get3A_56 : vector<2560x128xf32>
    %reduce_sum3A_68 = arith.constant dense<0.000000e+00> : vector<2560xf32>
    %reduce_sum3A_69 = vector.multi_reduction <add>, %mul3A_67, %reduce_sum3A_68 [1] : vector<2560x128xf32> to vector<2560xf32>
    %broadcast_in_dim3A_70 = vector.shape_cast %reduce_sum3A_69 : vector<2560xf32> to vector<2560x1xf32>
    %mul3A_71 = arith.mulf %get3A_61, %get3A_61 : vector<2560x128xf32>
    %reduce_sum3A_72 = arith.constant dense<0.000000e+00> : vector<2560xf32>
    %reduce_sum3A_73 = vector.multi_reduction <add>, %mul3A_71, %reduce_sum3A_72 [1] : vector<2560x128xf32> to vector<2560xf32>
    %broadcast_in_dim3A_74 = vector.shape_cast %reduce_sum3A_73 : vector<2560xf32> to vector<2560x1xf32>
    %mul3A_75 = arith.mulf %get3A_66, %get3A_66 : vector<2560x128xf32>
    %reduce_sum3A_76 = arith.constant dense<0.000000e+00> : vector<2560xf32>
    %reduce_sum3A_77 = vector.multi_reduction <add>, %mul3A_75, %reduce_sum3A_76 [1] : vector<2560x128xf32> to vector<2560xf32>
    %broadcast_in_dim3A_78 = vector.shape_cast %reduce_sum3A_77 : vector<2560xf32> to vector<2560x1xf32>
    %sqrt3A_79 = math.sqrt %broadcast_in_dim3A_70 : vector<2560x1xf32>
    %sqrt3A_80 = math.sqrt %broadcast_in_dim3A_74 : vector<2560x1xf32>
    %add3A_81 = arith.addf %sqrt3A_79, %sqrt3A_80 : vector<2560x1xf32>
    %sqrt3A_82 = math.sqrt %broadcast_in_dim3A_78 : vector<2560x1xf32>
    %add3A_83 = arith.addf %add3A_81, %sqrt3A_82 : vector<2560x1xf32>
    %mul3A_84 = arith.constant 0.333333343 : f32
    %mul3A_85 = vector.broadcast %mul3A_84 : f32 to vector<2560x1xf32>
    %mul3A_86 = arith.mulf %add3A_83, %mul3A_85 : vector<2560x1xf32>
    %get3A_87 = arith.constant 0 : index
    %get3A_88 = arith.constant 0 : index
    %get3A_89 = vector.load %arg8[%get3A_87, %get3A_88] : memref<128x128xf32, #tpu.memory_space<vmem>>, vector<1x128xf32>
    %reduce_sum3A_90 = vector.shape_cast %get3A_89 : vector<1x128xf32> to vector<1x1x128xf32>
    %reduce_sum3A_91 = arith.constant dense<0.000000e+00> : vector<1xf32>
    %reduce_sum3A_92 = vector.multi_reduction <add>, %reduce_sum3A_90, %reduce_sum3A_91 [1, 2] : vector<1x1x128xf32> to vector<1xf32>
    %reduce_sum3A_93 = vector.shape_cast %reduce_sum3A_92 : vector<1xf32> to vector<1x1x1xf32>
    %reduce_sum3A_94 = vector.extract %reduce_sum3A_93[0, 0, 0] : f32 from vector<1x1x1xf32>
    %mul3A_95 = vector.broadcast %reduce_sum3A_94 : f32 to vector<2560x1xf32>
    %mul3A_96 = arith.mulf %mul3A_86, %mul3A_95 : vector<2560x1xf32>
    %logistic3A_97 = arith.negf %mul3A_96 : vector<2560x1xf32>
    %logistic3A_98 = math.exp %logistic3A_97 : vector<2560x1xf32>
    %logistic3A_99 = arith.constant 1.000000e+00 : f32
    %logistic3A_100 = vector.broadcast %logistic3A_99 : f32 to vector<2560x1xf32>
    %logistic3A_101 = arith.addf %logistic3A_100, %logistic3A_98 : vector<2560x1xf32>
    %logistic3A_102 = arith.divf %logistic3A_100, %logistic3A_101 : vector<2560x1xf32>
    %mul3A_103 = arith.mulf %mul3A_96, %logistic3A_102 : vector<2560x1xf32>
    %mul3A_104 = arith.mulf %mul3A_103, %mul3A_103 : vector<2560x1xf32>
    %max3A_105 = arith.constant 1.000000e-24 : f32
    %max3A_106 = vector.broadcast %max3A_105 : f32 to vector<2560x1xf32>
    %max3A_107 = arith.maximumf %mul3A_104, %max3A_106 : vector<2560x1xf32>
    %sqrt3A_108 = math.sqrt %max3A_107 : vector<2560x1xf32>
    %max3A_109 = arith.constant 9.99999996E-13 : f32
    %max3A_110 = vector.broadcast %max3A_109 : f32 to vector<2560x1xf32>
    %max3A_111 = arith.maximumf %sqrt3A_108, %max3A_110 : vector<2560x1xf32>
    %div3A_112 = arith.divf %mul3A_103, %max3A_111 : vector<2560x1xf32>
    %mul3A_113 = arith.constant 2560 : i32
    %mul3A_114 = arith.muli %arg0, %mul3A_113 : i32
    %iota3A = tpu.iota {dimensions = array<i32: 0>} : vector<2560x1xi32>
    %add3A_115 = vector.broadcast %mul3A_114 : i32 to vector<2560x1xi32>
    %add3A_116 = arith.addi %add3A_115, %iota3A : vector<2560x1xi32>
    %lt3A = arith.constant 100000 : i32
    %lt3A_117 = vector.broadcast %lt3A : i32 to vector<2560x1xi32>
    %lt3A_118 = arith.cmpi slt, %add3A_116, %lt3A_117 : vector<2560x1xi32>
    %jit3A = arith.constant 0.000000e+00 : f32
    %broadcast_in_dim3A_119 = vector.shape_cast %lt3A_118 : vector<2560x1xi1> to vector<2560x1xi1>
    %broadcast_in_dim3A_120 = vector.broadcast %broadcast_in_dim3A_119 : vector<2560x1xi1> to vector<2560x128xi1>
    %broadcast_in_dim3A_121 = vector.broadcast %jit3A : f32 to vector<2560x128xf32>
    %select_n3A = arith.select %broadcast_in_dim3A_120, %mul3A_42, %broadcast_in_dim3A_121 : vector<2560x128xi1>, vector<2560x128xf32>
    %jit3A_122 = arith.constant 0.000000e+00 : f32
    %broadcast_in_dim3A_123 = vector.shape_cast %lt3A_118 : vector<2560x1xi1> to vector<2560x1xi1>
    %broadcast_in_dim3A_124 = vector.broadcast %broadcast_in_dim3A_123 : vector<2560x1xi1> to vector<2560x128xi1>
    %broadcast_in_dim3A_125 = vector.broadcast %jit3A_122 : f32 to vector<2560x128xf32>
    %select_n3A_126 = arith.select %broadcast_in_dim3A_124, %div3A_51, %broadcast_in_dim3A_125 : vector<2560x128xi1>, vector<2560x128xf32>
    %iota3A_127 = tpu.iota {dimensions = array<i32: 1>} : vector<2560x128xi32>
    %eq3A_128 = arith.constant 0 : i32
    %eq3A_129 = vector.broadcast %eq3A_128 : i32 to vector<2560x128xi32>
    %eq3A_130 = arith.cmpi eq, %iota3A_127, %eq3A_129 : vector<2560x128xi32>
    %jit3A_131 = arith.constant 0.000000e+00 : f32
    %broadcast_in_dim3A_132 = vector.shape_cast %mul3A_86 : vector<2560x1xf32> to vector<2560x1xf32>
    %broadcast_in_dim3A_133 = vector.broadcast %broadcast_in_dim3A_132 : vector<2560x1xf32> to vector<2560x128xf32>
    %broadcast_in_dim3A_134 = vector.broadcast %jit3A_131 : f32 to vector<2560x128xf32>
    %select_n3A_135 = arith.select %eq3A_130, %broadcast_in_dim3A_133, %broadcast_in_dim3A_134 : vector<2560x128xi1>, vector<2560x128xf32>
    %eq3A_136 = arith.constant 1 : i32
    %eq3A_137 = vector.broadcast %eq3A_136 : i32 to vector<2560x128xi32>
    %eq3A_138 = arith.cmpi eq, %iota3A_127, %eq3A_137 : vector<2560x128xi32>
    %jit3A_139 = arith.constant 0.000000e+00 : f32
    %broadcast_in_dim3A_140 = vector.shape_cast %mul3A_103 : vector<2560x1xf32> to vector<2560x1xf32>
    %broadcast_in_dim3A_141 = vector.broadcast %broadcast_in_dim3A_140 : vector<2560x1xf32> to vector<2560x128xf32>
    %broadcast_in_dim3A_142 = vector.broadcast %jit3A_139 : f32 to vector<2560x128xf32>
    %select_n3A_143 = arith.select %eq3A_138, %broadcast_in_dim3A_141, %broadcast_in_dim3A_142 : vector<2560x128xi1>, vector<2560x128xf32>
    %add3A_144 = arith.addf %select_n3A_135, %select_n3A_143 : vector<2560x128xf32>
    %eq3A_145 = arith.constant 2 : i32
    %eq3A_146 = vector.broadcast %eq3A_145 : i32 to vector<2560x128xi32>
    %eq3A_147 = arith.cmpi eq, %iota3A_127, %eq3A_146 : vector<2560x128xi32>
    %jit3A_148 = arith.constant 0.000000e+00 : f32
    %broadcast_in_dim3A_149 = vector.shape_cast %div3A_112 : vector<2560x1xf32> to vector<2560x1xf32>
    %broadcast_in_dim3A_150 = vector.broadcast %broadcast_in_dim3A_149 : vector<2560x1xf32> to vector<2560x128xf32>
    %broadcast_in_dim3A_151 = vector.broadcast %jit3A_148 : f32 to vector<2560x128xf32>
    %select_n3A_152 = arith.select %eq3A_147, %broadcast_in_dim3A_150, %broadcast_in_dim3A_151 : vector<2560x128xi1>, vector<2560x128xf32>
    %add3A_153 = arith.addf %add3A_144, %select_n3A_152 : vector<2560x128xf32>
    %eq3A_154 = arith.constant 3 : i32
    %eq3A_155 = vector.broadcast %eq3A_154 : i32 to vector<2560x128xi32>
    %eq3A_156 = arith.cmpi eq, %iota3A_127, %eq3A_155 : vector<2560x128xi32>
    %jit3A_157 = arith.constant 1.000000e+00 : f32
    %jit3A_158 = arith.constant 0.000000e+00 : f32
    %broadcast_in_dim3A_159 = vector.broadcast %jit3A_157 : f32 to vector<2560x128xf32>
    %broadcast_in_dim3A_160 = vector.broadcast %jit3A_158 : f32 to vector<2560x128xf32>
    %select_n3A_161 = arith.select %eq3A_156, %broadcast_in_dim3A_159, %broadcast_in_dim3A_160 : vector<2560x128xi1>, vector<2560x128xf32>
    %add3A_162 = arith.addf %add3A_153, %select_n3A_161 : vector<2560x128xf32>
    %jit3A_163 = arith.constant 0.000000e+00 : f32
    %broadcast_in_dim3A_164 = vector.shape_cast %lt3A_118 : vector<2560x1xi1> to vector<2560x1xi1>
    %broadcast_in_dim3A_165 = vector.broadcast %broadcast_in_dim3A_164 : vector<2560x1xi1> to vector<2560x128xi1>
    %broadcast_in_dim3A_166 = vector.broadcast %jit3A_163 : f32 to vector<2560x128xf32>
    %select_n3A_167 = arith.select %broadcast_in_dim3A_165, %add3A_162, %broadcast_in_dim3A_166 : vector<2560x128xi1>, vector<2560x128xf32>
    %reshape3A = vector.shape_cast %select_n3A_167 : vector<2560x128xf32> to vector<327680xf32>
    %swap3A = arith.constant 0 : index
    %swap3A_168 = vector.load %arg11[%swap3A] : memref<327680xf32, #tpu.memory_space<vmem>>, vector<327680xf32>
    tpu.vector_store %arg11[%swap3A], %reshape3A {strides = array<i32>} : memref<327680xf32, #tpu.memory_space<vmem>>, vector<327680xf32>,
    %get3A_169 = arith.constant 0 : index
    %get3A_170 = arith.constant 0 : index
    %get3A_171 = arith.constant 0 : index
    %get3A_172 = vector.load %arg1[%get3A_169, %get3A_170, %get3A_171] : memref<1x20x128xf32, #tpu.memory_space<vmem>>, vector<1x20x128xf32>
    %get3A_173 = vector.shape_cast %get3A_172 : vector<1x20x128xf32> to vector<20x128xf32>
    %iota3A_174 = tpu.iota {dimensions = array<i32: 0>} : vector<2560x20xi32>
    %jit3A_175 = arith.constant 128 : i32
    %div3A_176 = vector.broadcast %jit3A_175 : i32 to vector<2560x20xi32>
    %div3A_177 = arith.divsi %iota3A_174, %div3A_176 : vector<2560x20xi32>
    %sign3A = arith.constant 0 : i32
    %sign3A_178 = vector.broadcast %sign3A : i32 to vector<2560x20xi32>
    %sign3A_179 = arith.cmpi sgt, %iota3A_174, %sign3A_178 : vector<2560x20xi32>
    %sign3A_180 = arith.extui %sign3A_179 : vector<2560x20xi1> to vector<2560x20xi32>
    %sign3A_181 = arith.constant 0 : i32
    %sign3A_182 = vector.broadcast %sign3A_181 : i32 to vector<2560x20xi32>
    %sign3A_183 = arith.cmpi slt, %iota3A_174, %sign3A_182 : vector<2560x20xi32>
    %sign3A_184 = arith.extui %sign3A_183 : vector<2560x20xi1> to vector<2560x20xi32>
    %sign3A_185 = arith.subi %sign3A_180, %sign3A_184 : vector<2560x20xi32>
    %sign3A_186 = arith.constant 0 : i32
    %sign3A_187 = arith.cmpi sgt, %jit3A_175, %sign3A_186 : i32
    %sign3A_188 = arith.extui %sign3A_187 : i1 to i32
    %sign3A_189 = arith.constant 0 : i32
    %sign3A_190 = arith.cmpi slt, %jit3A_175, %sign3A_189 : i32
    %sign3A_191 = arith.extui %sign3A_190 : i1 to i32
    %sign3A_192 = arith.subi %sign3A_188, %sign3A_191 : i32
    %ne3A = vector.broadcast %sign3A_192 : i32 to vector<2560x20xi32>
    %ne3A_193 = arith.cmpi ne, %sign3A_185, %ne3A : vector<2560x20xi32>
    %rem3A = vector.broadcast %jit3A_175 : i32 to vector<2560x20xi32>
    %rem3A_194 = arith.remsi %iota3A_174, %rem3A : vector<2560x20xi32>
    %ne3A_195 = arith.constant 0 : i32
    %ne3A_196 = vector.broadcast %ne3A_195 : i32 to vector<2560x20xi32>
    %ne3A_197 = arith.cmpi ne, %rem3A_194, %ne3A_196 : vector<2560x20xi32>
    %and3A = arith.andi %ne3A_193, %ne3A_197 : vector<2560x20xi1>
    %sub3A_198 = arith.constant 1 : i32
    %sub3A_199 = vector.broadcast %sub3A_198 : i32 to vector<2560x20xi32>
    %sub3A_200 = arith.subi %div3A_177, %sub3A_199 : vector<2560x20xi32>
    %select_n3A_201 = arith.select %and3A, %sub3A_200, %div3A_177 : vector<2560x20xi1>, vector<2560x20xi32>
    %iota3A_202 = tpu.iota {dimensions = array<i32: 1>} : vector<2560x20xi32>
    %eq3A_203 = arith.cmpi eq, %select_n3A_201, %iota3A_202 : vector<2560x20xi32>
    %convert_element_type3A_204 = arith.extui %eq3A_203 : vector<2560x20xi1> to vector<2560x20xi32>
    %convert_element_type3A_205 = arith.sitofp %convert_element_type3A_204 : vector<2560x20xi32> to vector<2560x20xf32>
    %dot_general3A_206 = arith.constant dense<0.000000e+00> : vector<2560x128xf32>
    %dot_general3A_207 = tpu.matmul %convert_element_type3A_205, %get3A_173, %dot_general3A_206 {dimension_numbers = #tpu.dot_dimension_numbers<[1], [0], [0], [1], [0, 0, 1, 1], [], []>, precision = #tpu.contract_precision<fp32>, transpose_lhs_hint = false} : vector<2560x20xf32>, vector<20x128xf32>, vector<2560x128xf32> -> vector<2560x128xf32>
    %iota3A_208 = tpu.iota {dimensions = array<i32: 1>} : vector<2560x128xi32>
    %iota3A_209 = tpu.iota {dimensions = array<i32: 0>} : vector<2560x1xi32>
    %and3A_210 = arith.constant 127 : i32
    %and3A_211 = vector.broadcast %and3A_210 : i32 to vector<2560x1xi32>
    %and3A_212 = arith.andi %iota3A_209, %and3A_211 : vector<2560x1xi32>
    %eq3A_213 = vector.broadcast %and3A_212 : vector<2560x1xi32> to vector<2560x128xi32>
    %eq3A_214 = arith.cmpi eq, %iota3A_208, %eq3A_213 : vector<2560x128xi32>
    %jit3A_215 = arith.constant 0.000000e+00 : f32
    %broadcast_in_dim3A_216 = vector.broadcast %jit3A_215 : f32 to vector<2560x128xf32>
    %select_n3A_217 = arith.select %eq3A_214, %dot_general3A_207, %broadcast_in_dim3A_216 : vector<2560x128xi1>, vector<2560x128xf32>
    %reduce_sum3A_218 = arith.constant dense<0.000000e+00> : vector<2560xf32>
    %reduce_sum3A_219 = vector.multi_reduction <add>, %select_n3A_217, %reduce_sum3A_218 [1] : vector<2560x128xf32> to vector<2560xf32>
    %broadcast_in_dim3A_220 = vector.shape_cast %reduce_sum3A_219 : vector<2560xf32> to vector<2560x1xf32>
    %reduce_min3A = vector.shape_cast %broadcast_in_dim3A_220 : vector<2560x1xf32> to vector<1x2560x1xf32>
    %reduce_min3A_221 = arith.constant dense<0x7F800000> : vector<1xf32>
    %reduce_min3A_222 = vector.multi_reduction <minimumf>, %reduce_min3A, %reduce_min3A_221 [1, 2] : vector<1x2560x1xf32> to vector<1xf32>
    %reduce_min3A_223 = vector.shape_cast %reduce_min3A_222 : vector<1xf32> to vector<1x1x1xf32>
    %reduce_min3A_224 = vector.extract %reduce_min3A_223[0, 0, 0] : f32 from vector<1x1x1xf32>
    %reduce_max3A = vector.shape_cast %broadcast_in_dim3A_220 : vector<2560x1xf32> to vector<1x2560x1xf32>
    %reduce_max3A_225 = arith.constant dense<0xFF800000> : vector<1xf32>
    %reduce_max3A_226 = vector.multi_reduction <maximumf>, %reduce_max3A, %reduce_max3A_225 [1, 2] : vector<1x2560x1xf32> to vector<1xf32>
    %reduce_max3A_227 = vector.shape_cast %reduce_max3A_226 : vector<1xf32> to vector<1x1x1xf32>
    %reduce_max3A_228 = vector.extract %reduce_max3A_227[0, 0, 0] : f32 from vector<1x1x1xf32>
    %le3A = arith.constant 1.270000e+02 : f32
    %le3A_229 = arith.cmpf ole, %reduce_min3A_224, %le3A : f32
    %ge3A = arith.constant 0.000000e+00 : f32
    %ge3A_230 = arith.cmpf oge, %reduce_max3A_228, %ge3A : f32
    %and3A_231 = arith.andi %le3A_229, %ge3A_230 : i1
    %convert_element_type3A_232 = arith.extui %and3A_231 : i1 to i32
    %cond3A_233 = arith.constant 0 : i32
    %cond3A_234 = arith.cmpi ne, %convert_element_type3A_232, %cond3A_233 : i32
    scf.if %cond3A_234 {
      %add3A_355 = arith.constant 0 : i32
      %add3A_356 = vector.broadcast %add3A_355 : i32 to vector<2560x128xi32>
      %add3A_357 = arith.addi %add3A_356, %iota3A_208 : vector<2560x128xi32>
      %convert_element_type3A_358 = arith.sitofp %add3A_357 : vector<2560x128xi32> to vector<2560x128xf32>
      %eq3A_359 = vector.broadcast %broadcast_in_dim3A_220 : vector<2560x1xf32> to vector<2560x128xf32>
      %eq3A_360 = arith.cmpf oeq, %eq3A_359, %convert_element_type3A_358 : vector<2560x128xf32>
      %convert_element_type3A_361 = arith.extui %eq3A_360 : vector<2560x128xi1> to vector<2560x128xi32>
      %convert_element_type3A_362 = arith.sitofp %convert_element_type3A_361 : vector<2560x128xi32> to vector<2560x128xf32>
      %dot_general3A_363 = arith.constant dense<0.000000e+00> : vector<128x128xf32>
      %dot_general3A_364 = tpu.matmul %convert_element_type3A_362, %select_n3A, %dot_general3A_363 {dimension_numbers = #tpu.dot_dimension_numbers<[0], [0], [1], [1], [0, 1, 1, 1], [], []>, transpose_lhs_hint = false} : vector<2560x128xf32>, vector<2560x128xf32>, vector<128x128xf32> -> vector<128x128xf32>
      %dot_general3A_365 = arith.constant dense<0.000000e+00> : vector<128x128xf32>
      %dot_general3A_366 = tpu.matmul %convert_element_type3A_362, %select_n3A_126, %dot_general3A_365 {dimension_numbers = #tpu.dot_dimension_numbers<[0], [0], [1], [1], [0, 1, 1, 1], [], []>, transpose_lhs_hint = false} : vector<2560x128xf32>, vector<2560x128xf32>, vector<128x128xf32> -> vector<128x128xf32>
      %get3A_367 = arith.constant 0 : index
      %get3A_368 = arith.constant 0 : index
      %get3A_369 = vector.load %arg9[%get3A_367, %get3A_368] : memref<2048x128xf32, #tpu.memory_space<vmem>>, vector<128x128xf32>
      %add3A_370 = arith.addf %get3A_369, %dot_general3A_364 : vector<128x128xf32>
      %swap3A_371 = arith.constant 0 : index
      %swap3A_372 = arith.constant 0 : index
      %swap3A_373 = vector.load %arg9[%swap3A_371, %swap3A_372] : memref<2048x128xf32, #tpu.memory_space<vmem>>, vector<128x128xf32>
      tpu.vector_store %arg9[%swap3A_371, %swap3A_372], %add3A_370 {strides = array<i32>} : memref<2048x128xf32, #tpu.memory_space<vmem>>, vector<128x128xf32>,
      %get3A_374 = arith.constant 0 : index
      %get3A_375 = arith.constant 0 : index
      %get3A_376 = vector.load %arg10[%get3A_374, %get3A_375] : memref<2048x128xf32, #tpu.memory_space<vmem>>, vector<128x128xf32>
      %add3A_377 = arith.addf %get3A_376, %dot_general3A_366 : vector<128x128xf32>
      %swap3A_378 = arith.constant 0 : index
      %swap3A_379 = arith.constant 0 : index
      %swap3A_380 = vector.load %arg10[%swap3A_378, %swap3A_379] : memref<2048x128xf32, #tpu.memory_space<vmem>>, vector<128x128xf32>
      tpu.vector_store %arg10[%swap3A_378, %swap3A_379], %add3A_377 {strides = array<i32>} : memref<2048x128xf32, #tpu.memory_space<vmem>>, vector<128x128xf32>,
    } else {
    }
    %le3A_235 = arith.constant 2.550000e+02 : f32
    %le3A_236 = arith.cmpf ole, %reduce_min3A_224, %le3A_235 : f32
    %ge3A_237 = arith.constant 1.280000e+02 : f32
    %ge3A_238 = arith.cmpf oge, %reduce_max3A_228, %ge3A_237 : f32
    %and3A_239 = arith.andi %le3A_236, %ge3A_238 : i1
    %convert_element_type3A_240 = arith.extui %and3A_239 : i1 to i32
    %cond3A_241 = arith.constant 0 : i32
    %cond3A_242 = arith.cmpi ne, %convert_element_type3A_240, %cond3A_241 : i32
    scf.if %cond3A_242 {
      %add3A_355 = arith.constant 128 : i32
      %add3A_356 = vector.broadcast %add3A_355 : i32 to vector<2560x128xi32>
      %add3A_357 = arith.addi %add3A_356, %iota3A_208 : vector<2560x128xi32>
      %convert_element_type3A_358 = arith.sitofp %add3A_357 : vector<2560x128xi32> to vector<2560x128xf32>
      %eq3A_359 = vector.broadcast %broadcast_in_dim3A_220 : vector<2560x1xf32> to vector<2560x128xf32>
      %eq3A_360 = arith.cmpf oeq, %eq3A_359, %convert_element_type3A_358 : vector<2560x128xf32>
      %convert_element_type3A_361 = arith.extui %eq3A_360 : vector<2560x128xi1> to vector<2560x128xi32>
      %convert_element_type3A_362 = arith.sitofp %convert_element_type3A_361 : vector<2560x128xi32> to vector<2560x128xf32>
      %dot_general3A_363 = arith.constant dense<0.000000e+00> : vector<128x128xf32>
      %dot_general3A_364 = tpu.matmul %convert_element_type3A_362, %select_n3A, %dot_general3A_363 {dimension_numbers = #tpu.dot_dimension_numbers<[0], [0], [1], [1], [0, 1, 1, 1], [], []>, transpose_lhs_hint = false} : vector<2560x128xf32>, vector<2560x128xf32>, vector<128x128xf32> -> vector<128x128xf32>
      %dot_general3A_365 = arith.constant dense<0.000000e+00> : vector<128x128xf32>
      %dot_general3A_366 = tpu.matmul %convert_element_type3A_362, %select_n3A_126, %dot_general3A_365 {dimension_numbers = #tpu.dot_dimension_numbers<[0], [0], [1], [1], [0, 1, 1, 1], [], []>, transpose_lhs_hint = false} : vector<2560x128xf32>, vector<2560x128xf32>, vector<128x128xf32> -> vector<128x128xf32>
      %get3A_367 = arith.constant 128 : index
      %get3A_368 = arith.constant 0 : index
      %get3A_369 = vector.load %arg9[%get3A_367, %get3A_368] : memref<2048x128xf32, #tpu.memory_space<vmem>>, vector<128x128xf32>
      %add3A_370 = arith.addf %get3A_369, %dot_general3A_364 : vector<128x128xf32>
      %swap3A_371 = arith.constant 128 : index
      %swap3A_372 = arith.constant 0 : index
      %swap3A_373 = vector.load %arg9[%swap3A_371, %swap3A_372] : memref<2048x128xf32, #tpu.memory_space<vmem>>, vector<128x128xf32>
      tpu.vector_store %arg9[%swap3A_371, %swap3A_372], %add3A_370 {strides = array<i32>} : memref<2048x128xf32, #tpu.memory_space<vmem>>, vector<128x128xf32>,
      %get3A_374 = arith.constant 128 : index
      %get3A_375 = arith.constant 0 : index
      %get3A_376 = vector.load %arg10[%get3A_374, %get3A_375] : memref<2048x128xf32, #tpu.memory_space<vmem>>, vector<128x128xf32>
      %add3A_377 = arith.addf %get3A_376, %dot_general3A_366 : vector<128x128xf32>
      %swap3A_378 = arith.constant 128 : index
      %swap3A_379 = arith.constant 0 : index
      %swap3A_380 = vector.load %arg10[%swap3A_378, %swap3A_379] : memref<2048x128xf32, #tpu.memory_space<vmem>>, vector<128x128xf32>
      tpu.vector_store %arg10[%swap3A_378, %swap3A_379], %add3A_377 {strides = array<i32>} : memref<2048x128xf32, #tpu.memory_space<vmem>>, vector<128x128xf32>,
    } else {
    }
    %le3A_243 = arith.constant 3.830000e+02 : f32
    %le3A_244 = arith.cmpf ole, %reduce_min3A_224, %le3A_243 : f32
    %ge3A_245 = arith.constant 2.560000e+02 : f32
    %ge3A_246 = arith.cmpf oge, %reduce_max3A_228, %ge3A_245 : f32
    %and3A_247 = arith.andi %le3A_244, %ge3A_246 : i1
    %convert_element_type3A_248 = arith.extui %and3A_247 : i1 to i32
    %cond3A_249 = arith.constant 0 : i32
    %cond3A_250 = arith.cmpi ne, %convert_element_type3A_248, %cond3A_249 : i32
    scf.if %cond3A_250 {
      %add3A_355 = arith.constant 256 : i32
      %add3A_356 = vector.broadcast %add3A_355 : i32 to vector<2560x128xi32>
      %add3A_357 = arith.addi %add3A_356, %iota3A_208 : vector<2560x128xi32>
      %convert_element_type3A_358 = arith.sitofp %add3A_357 : vector<2560x128xi32> to vector<2560x128xf32>
      %eq3A_359 = vector.broadcast %broadcast_in_dim3A_220 : vector<2560x1xf32> to vector<2560x128xf32>
      %eq3A_360 = arith.cmpf oeq, %eq3A_359, %convert_element_type3A_358 : vector<2560x128xf32>
      %convert_element_type3A_361 = arith.extui %eq3A_360 : vector<2560x128xi1> to vector<2560x128xi32>
      %convert_element_type3A_362 = arith.sitofp %convert_element_type3A_361 : vector<2560x128xi32> to vector<2560x128xf32>
      %dot_general3A_363 = arith.constant dense<0.000000e+00> : vector<128x128xf32>
      %dot_general3A_364 = tpu.matmul %convert_element_type3A_362, %select_n3A, %dot_general3A_363 {dimension_numbers = #tpu.dot_dimension_numbers<[0], [0], [1], [1], [0, 1, 1, 1], [], []>, transpose_lhs_hint = false} : vector<2560x128xf32>, vector<2560x128xf32>, vector<128x128xf32> -> vector<128x128xf32>
      %dot_general3A_365 = arith.constant dense<0.000000e+00> : vector<128x128xf32>
      %dot_general3A_366 = tpu.matmul %convert_element_type3A_362, %select_n3A_126, %dot_general3A_365 {dimension_numbers = #tpu.dot_dimension_numbers<[0], [0], [1], [1], [0, 1, 1, 1], [], []>, transpose_lhs_hint = false} : vector<2560x128xf32>, vector<2560x128xf32>, vector<128x128xf32> -> vector<128x128xf32>
      %get3A_367 = arith.constant 256 : index
      %get3A_368 = arith.constant 0 : index
      %get3A_369 = vector.load %arg9[%get3A_367, %get3A_368] : memref<2048x128xf32, #tpu.memory_space<vmem>>, vector<128x128xf32>
      %add3A_370 = arith.addf %get3A_369, %dot_general3A_364 : vector<128x128xf32>
      %swap3A_371 = arith.constant 256 : index
      %swap3A_372 = arith.constant 0 : index
      %swap3A_373 = vector.load %arg9[%swap3A_371, %swap3A_372] : memref<2048x128xf32, #tpu.memory_space<vmem>>, vector<128x128xf32>
      tpu.vector_store %arg9[%swap3A_371, %swap3A_372], %add3A_370 {strides = array<i32>} : memref<2048x128xf32, #tpu.memory_space<vmem>>, vector<128x128xf32>,
      %get3A_374 = arith.constant 256 : index
      %get3A_375 = arith.constant 0 : index
      %get3A_376 = vector.load %arg10[%get3A_374, %get3A_375] : memref<2048x128xf32, #tpu.memory_space<vmem>>, vector<128x128xf32>
      %add3A_377 = arith.addf %get3A_376, %dot_general3A_366 : vector<128x128xf32>
      %swap3A_378 = arith.constant 256 : index
      %swap3A_379 = arith.constant 0 : index
      %swap3A_380 = vector.load %arg10[%swap3A_378, %swap3A_379] : memref<2048x128xf32, #tpu.memory_space<vmem>>, vector<128x128xf32>
      tpu.vector_store %arg10[%swap3A_378, %swap3A_379], %add3A_377 {strides = array<i32>} : memref<2048x128xf32, #tpu.memory_space<vmem>>, vector<128x128xf32>,
    } else {
    }
    %le3A_251 = arith.constant 5.110000e+02 : f32
    %le3A_252 = arith.cmpf ole, %reduce_min3A_224, %le3A_251 : f32
    %ge3A_253 = arith.constant 3.840000e+02 : f32
    %ge3A_254 = arith.cmpf oge, %reduce_max3A_228, %ge3A_253 : f32
    %and3A_255 = arith.andi %le3A_252, %ge3A_254 : i1
    %convert_element_type3A_256 = arith.extui %and3A_255 : i1 to i32
    %cond3A_257 = arith.constant 0 : i32
    %cond3A_258 = arith.cmpi ne, %convert_element_type3A_256, %cond3A_257 : i32
    scf.if %cond3A_258 {
      %add3A_355 = arith.constant 384 : i32
      %add3A_356 = vector.broadcast %add3A_355 : i32 to vector<2560x128xi32>
      %add3A_357 = arith.addi %add3A_356, %iota3A_208 : vector<2560x128xi32>
      %convert_element_type3A_358 = arith.sitofp %add3A_357 : vector<2560x128xi32> to vector<2560x128xf32>
      %eq3A_359 = vector.broadcast %broadcast_in_dim3A_220 : vector<2560x1xf32> to vector<2560x128xf32>
      %eq3A_360 = arith.cmpf oeq, %eq3A_359, %convert_element_type3A_358 : vector<2560x128xf32>
      %convert_element_type3A_361 = arith.extui %eq3A_360 : vector<2560x128xi1> to vector<2560x128xi32>
      %convert_element_type3A_362 = arith.sitofp %convert_element_type3A_361 : vector<2560x128xi32> to vector<2560x128xf32>
      %dot_general3A_363 = arith.constant dense<0.000000e+00> : vector<128x128xf32>
      %dot_general3A_364 = tpu.matmul %convert_element_type3A_362, %select_n3A, %dot_general3A_363 {dimension_numbers = #tpu.dot_dimension_numbers<[0], [0], [1], [1], [0, 1, 1, 1], [], []>, transpose_lhs_hint = false} : vector<2560x128xf32>, vector<2560x128xf32>, vector<128x128xf32> -> vector<128x128xf32>
      %dot_general3A_365 = arith.constant dense<0.000000e+00> : vector<128x128xf32>
      %dot_general3A_366 = tpu.matmul %convert_element_type3A_362, %select_n3A_126, %dot_general3A_365 {dimension_numbers = #tpu.dot_dimension_numbers<[0], [0], [1], [1], [0, 1, 1, 1], [], []>, transpose_lhs_hint = false} : vector<2560x128xf32>, vector<2560x128xf32>, vector<128x128xf32> -> vector<128x128xf32>
      %get3A_367 = arith.constant 384 : index
      %get3A_368 = arith.constant 0 : index
      %get3A_369 = vector.load %arg9[%get3A_367, %get3A_368] : memref<2048x128xf32, #tpu.memory_space<vmem>>, vector<128x128xf32>
      %add3A_370 = arith.addf %get3A_369, %dot_general3A_364 : vector<128x128xf32>
      %swap3A_371 = arith.constant 384 : index
      %swap3A_372 = arith.constant 0 : index
      %swap3A_373 = vector.load %arg9[%swap3A_371, %swap3A_372] : memref<2048x128xf32, #tpu.memory_space<vmem>>, vector<128x128xf32>
      tpu.vector_store %arg9[%swap3A_371, %swap3A_372], %add3A_370 {strides = array<i32>} : memref<2048x128xf32, #tpu.memory_space<vmem>>, vector<128x128xf32>,
      %get3A_374 = arith.constant 384 : index
      %get3A_375 = arith.constant 0 : index
      %get3A_376 = vector.load %arg10[%get3A_374, %get3A_375] : memref<2048x128xf32, #tpu.memory_space<vmem>>, vector<128x128xf32>
      %add3A_377 = arith.addf %get3A_376, %dot_general3A_366 : vector<128x128xf32>
      %swap3A_378 = arith.constant 384 : index
      %swap3A_379 = arith.constant 0 : index
      %swap3A_380 = vector.load %arg10[%swap3A_378, %swap3A_379] : memref<2048x128xf32, #tpu.memory_space<vmem>>, vector<128x128xf32>
      tpu.vector_store %arg10[%swap3A_378, %swap3A_379], %add3A_377 {strides = array<i32>} : memref<2048x128xf32, #tpu.memory_space<vmem>>, vector<128x128xf32>,
    } else {
    }
    %le3A_259 = arith.constant 6.390000e+02 : f32
    %le3A_260 = arith.cmpf ole, %reduce_min3A_224, %le3A_259 : f32
    %ge3A_261 = arith.constant 5.120000e+02 : f32
    %ge3A_262 = arith.cmpf oge, %reduce_max3A_228, %ge3A_261 : f32
    %and3A_263 = arith.andi %le3A_260, %ge3A_262 : i1
    %convert_element_type3A_264 = arith.extui %and3A_263 : i1 to i32
    %cond3A_265 = arith.constant 0 : i32
    %cond3A_266 = arith.cmpi ne, %convert_element_type3A_264, %cond3A_265 : i32
    scf.if %cond3A_266 {
      %add3A_355 = arith.constant 512 : i32
      %add3A_356 = vector.broadcast %add3A_355 : i32 to vector<2560x128xi32>
      %add3A_357 = arith.addi %add3A_356, %iota3A_208 : vector<2560x128xi32>
      %convert_element_type3A_358 = arith.sitofp %add3A_357 : vector<2560x128xi32> to vector<2560x128xf32>
      %eq3A_359 = vector.broadcast %broadcast_in_dim3A_220 : vector<2560x1xf32> to vector<2560x128xf32>
      %eq3A_360 = arith.cmpf oeq, %eq3A_359, %convert_element_type3A_358 : vector<2560x128xf32>
      %convert_element_type3A_361 = arith.extui %eq3A_360 : vector<2560x128xi1> to vector<2560x128xi32>
      %convert_element_type3A_362 = arith.sitofp %convert_element_type3A_361 : vector<2560x128xi32> to vector<2560x128xf32>
      %dot_general3A_363 = arith.constant dense<0.000000e+00> : vector<128x128xf32>
      %dot_general3A_364 = tpu.matmul %convert_element_type3A_362, %select_n3A, %dot_general3A_363 {dimension_numbers = #tpu.dot_dimension_numbers<[0], [0], [1], [1], [0, 1, 1, 1], [], []>, transpose_lhs_hint = false} : vector<2560x128xf32>, vector<2560x128xf32>, vector<128x128xf32> -> vector<128x128xf32>
      %dot_general3A_365 = arith.constant dense<0.000000e+00> : vector<128x128xf32>
      %dot_general3A_366 = tpu.matmul %convert_element_type3A_362, %select_n3A_126, %dot_general3A_365 {dimension_numbers = #tpu.dot_dimension_numbers<[0], [0], [1], [1], [0, 1, 1, 1], [], []>, transpose_lhs_hint = false} : vector<2560x128xf32>, vector<2560x128xf32>, vector<128x128xf32> -> vector<128x128xf32>
      %get3A_367 = arith.constant 512 : index
      %get3A_368 = arith.constant 0 : index
      %get3A_369 = vector.load %arg9[%get3A_367, %get3A_368] : memref<2048x128xf32, #tpu.memory_space<vmem>>, vector<128x128xf32>
      %add3A_370 = arith.addf %get3A_369, %dot_general3A_364 : vector<128x128xf32>
      %swap3A_371 = arith.constant 512 : index
      %swap3A_372 = arith.constant 0 : index
      %swap3A_373 = vector.load %arg9[%swap3A_371, %swap3A_372] : memref<2048x128xf32, #tpu.memory_space<vmem>>, vector<128x128xf32>
      tpu.vector_store %arg9[%swap3A_371, %swap3A_372], %add3A_370 {strides = array<i32>} : memref<2048x128xf32, #tpu.memory_space<vmem>>, vector<128x128xf32>,
      %get3A_374 = arith.constant 512 : index
      %get3A_375 = arith.constant 0 : index
      %get3A_376 = vector.load %arg10[%get3A_374, %get3A_375] : memref<2048x128xf32, #tpu.memory_space<vmem>>, vector<128x128xf32>
      %add3A_377 = arith.addf %get3A_376, %dot_general3A_366 : vector<128x128xf32>
      %swap3A_378 = arith.constant 512 : index
      %swap3A_379 = arith.constant 0 : index
      %swap3A_380 = vector.load %arg10[%swap3A_378, %swap3A_379] : memref<2048x128xf32, #tpu.memory_space<vmem>>, vector<128x128xf32>
      tpu.vector_store %arg10[%swap3A_378, %swap3A_379], %add3A_377 {strides = array<i32>} : memref<2048x128xf32, #tpu.memory_space<vmem>>, vector<128x128xf32>,
    } else {
    }
    %le3A_267 = arith.constant 7.670000e+02 : f32
    %le3A_268 = arith.cmpf ole, %reduce_min3A_224, %le3A_267 : f32
    %ge3A_269 = arith.constant 6.400000e+02 : f32
    %ge3A_270 = arith.cmpf oge, %reduce_max3A_228, %ge3A_269 : f32
    %and3A_271 = arith.andi %le3A_268, %ge3A_270 : i1
    %convert_element_type3A_272 = arith.extui %and3A_271 : i1 to i32
    %cond3A_273 = arith.constant 0 : i32
    %cond3A_274 = arith.cmpi ne, %convert_element_type3A_272, %cond3A_273 : i32
    scf.if %cond3A_274 {
      %add3A_355 = arith.constant 640 : i32
      %add3A_356 = vector.broadcast %add3A_355 : i32 to vector<2560x128xi32>
      %add3A_357 = arith.addi %add3A_356, %iota3A_208 : vector<2560x128xi32>
      %convert_element_type3A_358 = arith.sitofp %add3A_357 : vector<2560x128xi32> to vector<2560x128xf32>
      %eq3A_359 = vector.broadcast %broadcast_in_dim3A_220 : vector<2560x1xf32> to vector<2560x128xf32>
      %eq3A_360 = arith.cmpf oeq, %eq3A_359, %convert_element_type3A_358 : vector<2560x128xf32>
      %convert_element_type3A_361 = arith.extui %eq3A_360 : vector<2560x128xi1> to vector<2560x128xi32>
      %convert_element_type3A_362 = arith.sitofp %convert_element_type3A_361 : vector<2560x128xi32> to vector<2560x128xf32>
      %dot_general3A_363 = arith.constant dense<0.000000e+00> : vector<128x128xf32>
      %dot_general3A_364 = tpu.matmul %convert_element_type3A_362, %select_n3A, %dot_general3A_363 {dimension_numbers = #tpu.dot_dimension_numbers<[0], [0], [1], [1], [0, 1, 1, 1], [], []>, transpose_lhs_hint = false} : vector<2560x128xf32>, vector<2560x128xf32>, vector<128x128xf32> -> vector<128x128xf32>
      %dot_general3A_365 = arith.constant dense<0.000000e+00> : vector<128x128xf32>
      %dot_general3A_366 = tpu.matmul %convert_element_type3A_362, %select_n3A_126, %dot_general3A_365 {dimension_numbers = #tpu.dot_dimension_numbers<[0], [0], [1], [1], [0, 1, 1, 1], [], []>, transpose_lhs_hint = false} : vector<2560x128xf32>, vector<2560x128xf32>, vector<128x128xf32> -> vector<128x128xf32>
      %get3A_367 = arith.constant 640 : index
      %get3A_368 = arith.constant 0 : index
      %get3A_369 = vector.load %arg9[%get3A_367, %get3A_368] : memref<2048x128xf32, #tpu.memory_space<vmem>>, vector<128x128xf32>
      %add3A_370 = arith.addf %get3A_369, %dot_general3A_364 : vector<128x128xf32>
      %swap3A_371 = arith.constant 640 : index
      %swap3A_372 = arith.constant 0 : index
      %swap3A_373 = vector.load %arg9[%swap3A_371, %swap3A_372] : memref<2048x128xf32, #tpu.memory_space<vmem>>, vector<128x128xf32>
      tpu.vector_store %arg9[%swap3A_371, %swap3A_372], %add3A_370 {strides = array<i32>} : memref<2048x128xf32, #tpu.memory_space<vmem>>, vector<128x128xf32>,
      %get3A_374 = arith.constant 640 : index
      %get3A_375 = arith.constant 0 : index
      %get3A_376 = vector.load %arg10[%get3A_374, %get3A_375] : memref<2048x128xf32, #tpu.memory_space<vmem>>, vector<128x128xf32>
      %add3A_377 = arith.addf %get3A_376, %dot_general3A_366 : vector<128x128xf32>
      %swap3A_378 = arith.constant 640 : index
      %swap3A_379 = arith.constant 0 : index
      %swap3A_380 = vector.load %arg10[%swap3A_378, %swap3A_379] : memref<2048x128xf32, #tpu.memory_space<vmem>>, vector<128x128xf32>
      tpu.vector_store %arg10[%swap3A_378, %swap3A_379], %add3A_377 {strides = array<i32>} : memref<2048x128xf32, #tpu.memory_space<vmem>>, vector<128x128xf32>,
    } else {
    }
    %le3A_275 = arith.constant 8.950000e+02 : f32
    %le3A_276 = arith.cmpf ole, %reduce_min3A_224, %le3A_275 : f32
    %ge3A_277 = arith.constant 7.680000e+02 : f32
    %ge3A_278 = arith.cmpf oge, %reduce_max3A_228, %ge3A_277 : f32
    %and3A_279 = arith.andi %le3A_276, %ge3A_278 : i1
    %convert_element_type3A_280 = arith.extui %and3A_279 : i1 to i32
    %cond3A_281 = arith.constant 0 : i32
    %cond3A_282 = arith.cmpi ne, %convert_element_type3A_280, %cond3A_281 : i32
    scf.if %cond3A_282 {
      %add3A_355 = arith.constant 768 : i32
      %add3A_356 = vector.broadcast %add3A_355 : i32 to vector<2560x128xi32>
      %add3A_357 = arith.addi %add3A_356, %iota3A_208 : vector<2560x128xi32>
      %convert_element_type3A_358 = arith.sitofp %add3A_357 : vector<2560x128xi32> to vector<2560x128xf32>
      %eq3A_359 = vector.broadcast %broadcast_in_dim3A_220 : vector<2560x1xf32> to vector<2560x128xf32>
      %eq3A_360 = arith.cmpf oeq, %eq3A_359, %convert_element_type3A_358 : vector<2560x128xf32>
      %convert_element_type3A_361 = arith.extui %eq3A_360 : vector<2560x128xi1> to vector<2560x128xi32>
      %convert_element_type3A_362 = arith.sitofp %convert_element_type3A_361 : vector<2560x128xi32> to vector<2560x128xf32>
      %dot_general3A_363 = arith.constant dense<0.000000e+00> : vector<128x128xf32>
      %dot_general3A_364 = tpu.matmul %convert_element_type3A_362, %select_n3A, %dot_general3A_363 {dimension_numbers = #tpu.dot_dimension_numbers<[0], [0], [1], [1], [0, 1, 1, 1], [], []>, transpose_lhs_hint = false} : vector<2560x128xf32>, vector<2560x128xf32>, vector<128x128xf32> -> vector<128x128xf32>
      %dot_general3A_365 = arith.constant dense<0.000000e+00> : vector<128x128xf32>
      %dot_general3A_366 = tpu.matmul %convert_element_type3A_362, %select_n3A_126, %dot_general3A_365 {dimension_numbers = #tpu.dot_dimension_numbers<[0], [0], [1], [1], [0, 1, 1, 1], [], []>, transpose_lhs_hint = false} : vector<2560x128xf32>, vector<2560x128xf32>, vector<128x128xf32> -> vector<128x128xf32>
      %get3A_367 = arith.constant 768 : index
      %get3A_368 = arith.constant 0 : index
      %get3A_369 = vector.load %arg9[%get3A_367, %get3A_368] : memref<2048x128xf32, #tpu.memory_space<vmem>>, vector<128x128xf32>
      %add3A_370 = arith.addf %get3A_369, %dot_general3A_364 : vector<128x128xf32>
      %swap3A_371 = arith.constant 768 : index
      %swap3A_372 = arith.constant 0 : index
      %swap3A_373 = vector.load %arg9[%swap3A_371, %swap3A_372] : memref<2048x128xf32, #tpu.memory_space<vmem>>, vector<128x128xf32>
      tpu.vector_store %arg9[%swap3A_371, %swap3A_372], %add3A_370 {strides = array<i32>} : memref<2048x128xf32, #tpu.memory_space<vmem>>, vector<128x128xf32>,
      %get3A_374 = arith.constant 768 : index
      %get3A_375 = arith.constant 0 : index
      %get3A_376 = vector.load %arg10[%get3A_374, %get3A_375] : memref<2048x128xf32, #tpu.memory_space<vmem>>, vector<128x128xf32>
      %add3A_377 = arith.addf %get3A_376, %dot_general3A_366 : vector<128x128xf32>
      %swap3A_378 = arith.constant 768 : index
      %swap3A_379 = arith.constant 0 : index
      %swap3A_380 = vector.load %arg10[%swap3A_378, %swap3A_379] : memref<2048x128xf32, #tpu.memory_space<vmem>>, vector<128x128xf32>
      tpu.vector_store %arg10[%swap3A_378, %swap3A_379], %add3A_377 {strides = array<i32>} : memref<2048x128xf32, #tpu.memory_space<vmem>>, vector<128x128xf32>,
    } else {
    }
    %le3A_283 = arith.constant 1.023000e+03 : f32
    %le3A_284 = arith.cmpf ole, %reduce_min3A_224, %le3A_283 : f32
    %ge3A_285 = arith.constant 8.960000e+02 : f32
    %ge3A_286 = arith.cmpf oge, %reduce_max3A_228, %ge3A_285 : f32
    %and3A_287 = arith.andi %le3A_284, %ge3A_286 : i1
    %convert_element_type3A_288 = arith.extui %and3A_287 : i1 to i32
    %cond3A_289 = arith.constant 0 : i32
    %cond3A_290 = arith.cmpi ne, %convert_element_type3A_288, %cond3A_289 : i32
    scf.if %cond3A_290 {
      %add3A_355 = arith.constant 896 : i32
      %add3A_356 = vector.broadcast %add3A_355 : i32 to vector<2560x128xi32>
      %add3A_357 = arith.addi %add3A_356, %iota3A_208 : vector<2560x128xi32>
      %convert_element_type3A_358 = arith.sitofp %add3A_357 : vector<2560x128xi32> to vector<2560x128xf32>
      %eq3A_359 = vector.broadcast %broadcast_in_dim3A_220 : vector<2560x1xf32> to vector<2560x128xf32>
      %eq3A_360 = arith.cmpf oeq, %eq3A_359, %convert_element_type3A_358 : vector<2560x128xf32>
      %convert_element_type3A_361 = arith.extui %eq3A_360 : vector<2560x128xi1> to vector<2560x128xi32>
      %convert_element_type3A_362 = arith.sitofp %convert_element_type3A_361 : vector<2560x128xi32> to vector<2560x128xf32>
      %dot_general3A_363 = arith.constant dense<0.000000e+00> : vector<128x128xf32>
      %dot_general3A_364 = tpu.matmul %convert_element_type3A_362, %select_n3A, %dot_general3A_363 {dimension_numbers = #tpu.dot_dimension_numbers<[0], [0], [1], [1], [0, 1, 1, 1], [], []>, transpose_lhs_hint = false} : vector<2560x128xf32>, vector<2560x128xf32>, vector<128x128xf32> -> vector<128x128xf32>
      %dot_general3A_365 = arith.constant dense<0.000000e+00> : vector<128x128xf32>
      %dot_general3A_366 = tpu.matmul %convert_element_type3A_362, %select_n3A_126, %dot_general3A_365 {dimension_numbers = #tpu.dot_dimension_numbers<[0], [0], [1], [1], [0, 1, 1, 1], [], []>, transpose_lhs_hint = false} : vector<2560x128xf32>, vector<2560x128xf32>, vector<128x128xf32> -> vector<128x128xf32>
      %get3A_367 = arith.constant 896 : index
      %get3A_368 = arith.constant 0 : index
      %get3A_369 = vector.load %arg9[%get3A_367, %get3A_368] : memref<2048x128xf32, #tpu.memory_space<vmem>>, vector<128x128xf32>
      %add3A_370 = arith.addf %get3A_369, %dot_general3A_364 : vector<128x128xf32>
      %swap3A_371 = arith.constant 896 : index
      %swap3A_372 = arith.constant 0 : index
      %swap3A_373 = vector.load %arg9[%swap3A_371, %swap3A_372] : memref<2048x128xf32, #tpu.memory_space<vmem>>, vector<128x128xf32>
      tpu.vector_store %arg9[%swap3A_371, %swap3A_372], %add3A_370 {strides = array<i32>} : memref<2048x128xf32, #tpu.memory_space<vmem>>, vector<128x128xf32>,
      %get3A_374 = arith.constant 896 : index
      %get3A_375 = arith.constant 0 : index
      %get3A_376 = vector.load %arg10[%get3A_374, %get3A_375] : memref<2048x128xf32, #tpu.memory_space<vmem>>, vector<128x128xf32>
      %add3A_377 = arith.addf %get3A_376, %dot_general3A_366 : vector<128x128xf32>
      %swap3A_378 = arith.constant 896 : index
      %swap3A_379 = arith.constant 0 : index
      %swap3A_380 = vector.load %arg10[%swap3A_378, %swap3A_379] : memref<2048x128xf32, #tpu.memory_space<vmem>>, vector<128x128xf32>
      tpu.vector_store %arg10[%swap3A_378, %swap3A_379], %add3A_377 {strides = array<i32>} : memref<2048x128xf32, #tpu.memory_space<vmem>>, vector<128x128xf32>,
    } else {
    }
    %le3A_291 = arith.constant 1.151000e+03 : f32
    %le3A_292 = arith.cmpf ole, %reduce_min3A_224, %le3A_291 : f32
    %ge3A_293 = arith.constant 1.024000e+03 : f32
    %ge3A_294 = arith.cmpf oge, %reduce_max3A_228, %ge3A_293 : f32
    %and3A_295 = arith.andi %le3A_292, %ge3A_294 : i1
    %convert_element_type3A_296 = arith.extui %and3A_295 : i1 to i32
    %cond3A_297 = arith.constant 0 : i32
    %cond3A_298 = arith.cmpi ne, %convert_element_type3A_296, %cond3A_297 : i32
    scf.if %cond3A_298 {
      %add3A_355 = arith.constant 1024 : i32
      %add3A_356 = vector.broadcast %add3A_355 : i32 to vector<2560x128xi32>
      %add3A_357 = arith.addi %add3A_356, %iota3A_208 : vector<2560x128xi32>
      %convert_element_type3A_358 = arith.sitofp %add3A_357 : vector<2560x128xi32> to vector<2560x128xf32>
      %eq3A_359 = vector.broadcast %broadcast_in_dim3A_220 : vector<2560x1xf32> to vector<2560x128xf32>
      %eq3A_360 = arith.cmpf oeq, %eq3A_359, %convert_element_type3A_358 : vector<2560x128xf32>
      %convert_element_type3A_361 = arith.extui %eq3A_360 : vector<2560x128xi1> to vector<2560x128xi32>
      %convert_element_type3A_362 = arith.sitofp %convert_element_type3A_361 : vector<2560x128xi32> to vector<2560x128xf32>
      %dot_general3A_363 = arith.constant dense<0.000000e+00> : vector<128x128xf32>
      %dot_general3A_364 = tpu.matmul %convert_element_type3A_362, %select_n3A, %dot_general3A_363 {dimension_numbers = #tpu.dot_dimension_numbers<[0], [0], [1], [1], [0, 1, 1, 1], [], []>, transpose_lhs_hint = false} : vector<2560x128xf32>, vector<2560x128xf32>, vector<128x128xf32> -> vector<128x128xf32>
      %dot_general3A_365 = arith.constant dense<0.000000e+00> : vector<128x128xf32>
      %dot_general3A_366 = tpu.matmul %convert_element_type3A_362, %select_n3A_126, %dot_general3A_365 {dimension_numbers = #tpu.dot_dimension_numbers<[0], [0], [1], [1], [0, 1, 1, 1], [], []>, transpose_lhs_hint = false} : vector<2560x128xf32>, vector<2560x128xf32>, vector<128x128xf32> -> vector<128x128xf32>
      %get3A_367 = arith.constant 1024 : index
      %get3A_368 = arith.constant 0 : index
      %get3A_369 = vector.load %arg9[%get3A_367, %get3A_368] : memref<2048x128xf32, #tpu.memory_space<vmem>>, vector<128x128xf32>
      %add3A_370 = arith.addf %get3A_369, %dot_general3A_364 : vector<128x128xf32>
      %swap3A_371 = arith.constant 1024 : index
      %swap3A_372 = arith.constant 0 : index
      %swap3A_373 = vector.load %arg9[%swap3A_371, %swap3A_372] : memref<2048x128xf32, #tpu.memory_space<vmem>>, vector<128x128xf32>
      tpu.vector_store %arg9[%swap3A_371, %swap3A_372], %add3A_370 {strides = array<i32>} : memref<2048x128xf32, #tpu.memory_space<vmem>>, vector<128x128xf32>,
      %get3A_374 = arith.constant 1024 : index
      %get3A_375 = arith.constant 0 : index
      %get3A_376 = vector.load %arg10[%get3A_374, %get3A_375] : memref<2048x128xf32, #tpu.memory_space<vmem>>, vector<128x128xf32>
      %add3A_377 = arith.addf %get3A_376, %dot_general3A_366 : vector<128x128xf32>
      %swap3A_378 = arith.constant 1024 : index
      %swap3A_379 = arith.constant 0 : index
      %swap3A_380 = vector.load %arg10[%swap3A_378, %swap3A_379] : memref<2048x128xf32, #tpu.memory_space<vmem>>, vector<128x128xf32>
      tpu.vector_store %arg10[%swap3A_378, %swap3A_379], %add3A_377 {strides = array<i32>} : memref<2048x128xf32, #tpu.memory_space<vmem>>, vector<128x128xf32>,
    } else {
    }
    %le3A_299 = arith.constant 1.279000e+03 : f32
    %le3A_300 = arith.cmpf ole, %reduce_min3A_224, %le3A_299 : f32
    %ge3A_301 = arith.constant 1.152000e+03 : f32
    %ge3A_302 = arith.cmpf oge, %reduce_max3A_228, %ge3A_301 : f32
    %and3A_303 = arith.andi %le3A_300, %ge3A_302 : i1
    %convert_element_type3A_304 = arith.extui %and3A_303 : i1 to i32
    %cond3A_305 = arith.constant 0 : i32
    %cond3A_306 = arith.cmpi ne, %convert_element_type3A_304, %cond3A_305 : i32
    scf.if %cond3A_306 {
      %add3A_355 = arith.constant 1152 : i32
      %add3A_356 = vector.broadcast %add3A_355 : i32 to vector<2560x128xi32>
      %add3A_357 = arith.addi %add3A_356, %iota3A_208 : vector<2560x128xi32>
      %convert_element_type3A_358 = arith.sitofp %add3A_357 : vector<2560x128xi32> to vector<2560x128xf32>
      %eq3A_359 = vector.broadcast %broadcast_in_dim3A_220 : vector<2560x1xf32> to vector<2560x128xf32>
      %eq3A_360 = arith.cmpf oeq, %eq3A_359, %convert_element_type3A_358 : vector<2560x128xf32>
      %convert_element_type3A_361 = arith.extui %eq3A_360 : vector<2560x128xi1> to vector<2560x128xi32>
      %convert_element_type3A_362 = arith.sitofp %convert_element_type3A_361 : vector<2560x128xi32> to vector<2560x128xf32>
      %dot_general3A_363 = arith.constant dense<0.000000e+00> : vector<128x128xf32>
      %dot_general3A_364 = tpu.matmul %convert_element_type3A_362, %select_n3A, %dot_general3A_363 {dimension_numbers = #tpu.dot_dimension_numbers<[0], [0], [1], [1], [0, 1, 1, 1], [], []>, transpose_lhs_hint = false} : vector<2560x128xf32>, vector<2560x128xf32>, vector<128x128xf32> -> vector<128x128xf32>
      %dot_general3A_365 = arith.constant dense<0.000000e+00> : vector<128x128xf32>
      %dot_general3A_366 = tpu.matmul %convert_element_type3A_362, %select_n3A_126, %dot_general3A_365 {dimension_numbers = #tpu.dot_dimension_numbers<[0], [0], [1], [1], [0, 1, 1, 1], [], []>, transpose_lhs_hint = false} : vector<2560x128xf32>, vector<2560x128xf32>, vector<128x128xf32> -> vector<128x128xf32>
      %get3A_367 = arith.constant 1152 : index
      %get3A_368 = arith.constant 0 : index
      %get3A_369 = vector.load %arg9[%get3A_367, %get3A_368] : memref<2048x128xf32, #tpu.memory_space<vmem>>, vector<128x128xf32>
      %add3A_370 = arith.addf %get3A_369, %dot_general3A_364 : vector<128x128xf32>
      %swap3A_371 = arith.constant 1152 : index
      %swap3A_372 = arith.constant 0 : index
      %swap3A_373 = vector.load %arg9[%swap3A_371, %swap3A_372] : memref<2048x128xf32, #tpu.memory_space<vmem>>, vector<128x128xf32>
      tpu.vector_store %arg9[%swap3A_371, %swap3A_372], %add3A_370 {strides = array<i32>} : memref<2048x128xf32, #tpu.memory_space<vmem>>, vector<128x128xf32>,
      %get3A_374 = arith.constant 1152 : index
      %get3A_375 = arith.constant 0 : index
      %get3A_376 = vector.load %arg10[%get3A_374, %get3A_375] : memref<2048x128xf32, #tpu.memory_space<vmem>>, vector<128x128xf32>
      %add3A_377 = arith.addf %get3A_376, %dot_general3A_366 : vector<128x128xf32>
      %swap3A_378 = arith.constant 1152 : index
      %swap3A_379 = arith.constant 0 : index
      %swap3A_380 = vector.load %arg10[%swap3A_378, %swap3A_379] : memref<2048x128xf32, #tpu.memory_space<vmem>>, vector<128x128xf32>
      tpu.vector_store %arg10[%swap3A_378, %swap3A_379], %add3A_377 {strides = array<i32>} : memref<2048x128xf32, #tpu.memory_space<vmem>>, vector<128x128xf32>,
    } else {
    }
    %le3A_307 = arith.constant 1.407000e+03 : f32
    %le3A_308 = arith.cmpf ole, %reduce_min3A_224, %le3A_307 : f32
    %ge3A_309 = arith.constant 1.280000e+03 : f32
    %ge3A_310 = arith.cmpf oge, %reduce_max3A_228, %ge3A_309 : f32
    %and3A_311 = arith.andi %le3A_308, %ge3A_310 : i1
    %convert_element_type3A_312 = arith.extui %and3A_311 : i1 to i32
    %cond3A_313 = arith.constant 0 : i32
    %cond3A_314 = arith.cmpi ne, %convert_element_type3A_312, %cond3A_313 : i32
    scf.if %cond3A_314 {
      %add3A_355 = arith.constant 1280 : i32
      %add3A_356 = vector.broadcast %add3A_355 : i32 to vector<2560x128xi32>
      %add3A_357 = arith.addi %add3A_356, %iota3A_208 : vector<2560x128xi32>
      %convert_element_type3A_358 = arith.sitofp %add3A_357 : vector<2560x128xi32> to vector<2560x128xf32>
      %eq3A_359 = vector.broadcast %broadcast_in_dim3A_220 : vector<2560x1xf32> to vector<2560x128xf32>
      %eq3A_360 = arith.cmpf oeq, %eq3A_359, %convert_element_type3A_358 : vector<2560x128xf32>
      %convert_element_type3A_361 = arith.extui %eq3A_360 : vector<2560x128xi1> to vector<2560x128xi32>
      %convert_element_type3A_362 = arith.sitofp %convert_element_type3A_361 : vector<2560x128xi32> to vector<2560x128xf32>
      %dot_general3A_363 = arith.constant dense<0.000000e+00> : vector<128x128xf32>
      %dot_general3A_364 = tpu.matmul %convert_element_type3A_362, %select_n3A, %dot_general3A_363 {dimension_numbers = #tpu.dot_dimension_numbers<[0], [0], [1], [1], [0, 1, 1, 1], [], []>, transpose_lhs_hint = false} : vector<2560x128xf32>, vector<2560x128xf32>, vector<128x128xf32> -> vector<128x128xf32>
      %dot_general3A_365 = arith.constant dense<0.000000e+00> : vector<128x128xf32>
      %dot_general3A_366 = tpu.matmul %convert_element_type3A_362, %select_n3A_126, %dot_general3A_365 {dimension_numbers = #tpu.dot_dimension_numbers<[0], [0], [1], [1], [0, 1, 1, 1], [], []>, transpose_lhs_hint = false} : vector<2560x128xf32>, vector<2560x128xf32>, vector<128x128xf32> -> vector<128x128xf32>
      %get3A_367 = arith.constant 1280 : index
      %get3A_368 = arith.constant 0 : index
      %get3A_369 = vector.load %arg9[%get3A_367, %get3A_368] : memref<2048x128xf32, #tpu.memory_space<vmem>>, vector<128x128xf32>
      %add3A_370 = arith.addf %get3A_369, %dot_general3A_364 : vector<128x128xf32>
      %swap3A_371 = arith.constant 1280 : index
      %swap3A_372 = arith.constant 0 : index
      %swap3A_373 = vector.load %arg9[%swap3A_371, %swap3A_372] : memref<2048x128xf32, #tpu.memory_space<vmem>>, vector<128x128xf32>
      tpu.vector_store %arg9[%swap3A_371, %swap3A_372], %add3A_370 {strides = array<i32>} : memref<2048x128xf32, #tpu.memory_space<vmem>>, vector<128x128xf32>,
      %get3A_374 = arith.constant 1280 : index
      %get3A_375 = arith.constant 0 : index
      %get3A_376 = vector.load %arg10[%get3A_374, %get3A_375] : memref<2048x128xf32, #tpu.memory_space<vmem>>, vector<128x128xf32>
      %add3A_377 = arith.addf %get3A_376, %dot_general3A_366 : vector<128x128xf32>
      %swap3A_378 = arith.constant 1280 : index
      %swap3A_379 = arith.constant 0 : index
      %swap3A_380 = vector.load %arg10[%swap3A_378, %swap3A_379] : memref<2048x128xf32, #tpu.memory_space<vmem>>, vector<128x128xf32>
      tpu.vector_store %arg10[%swap3A_378, %swap3A_379], %add3A_377 {strides = array<i32>} : memref<2048x128xf32, #tpu.memory_space<vmem>>, vector<128x128xf32>,
    } else {
    }
    %le3A_315 = arith.constant 1.535000e+03 : f32
    %le3A_316 = arith.cmpf ole, %reduce_min3A_224, %le3A_315 : f32
    %ge3A_317 = arith.constant 1.408000e+03 : f32
    %ge3A_318 = arith.cmpf oge, %reduce_max3A_228, %ge3A_317 : f32
    %and3A_319 = arith.andi %le3A_316, %ge3A_318 : i1
    %convert_element_type3A_320 = arith.extui %and3A_319 : i1 to i32
    %cond3A_321 = arith.constant 0 : i32
    %cond3A_322 = arith.cmpi ne, %convert_element_type3A_320, %cond3A_321 : i32
    scf.if %cond3A_322 {
      %add3A_355 = arith.constant 1408 : i32
      %add3A_356 = vector.broadcast %add3A_355 : i32 to vector<2560x128xi32>
      %add3A_357 = arith.addi %add3A_356, %iota3A_208 : vector<2560x128xi32>
      %convert_element_type3A_358 = arith.sitofp %add3A_357 : vector<2560x128xi32> to vector<2560x128xf32>
      %eq3A_359 = vector.broadcast %broadcast_in_dim3A_220 : vector<2560x1xf32> to vector<2560x128xf32>
      %eq3A_360 = arith.cmpf oeq, %eq3A_359, %convert_element_type3A_358 : vector<2560x128xf32>
      %convert_element_type3A_361 = arith.extui %eq3A_360 : vector<2560x128xi1> to vector<2560x128xi32>
      %convert_element_type3A_362 = arith.sitofp %convert_element_type3A_361 : vector<2560x128xi32> to vector<2560x128xf32>
      %dot_general3A_363 = arith.constant dense<0.000000e+00> : vector<128x128xf32>
      %dot_general3A_364 = tpu.matmul %convert_element_type3A_362, %select_n3A, %dot_general3A_363 {dimension_numbers = #tpu.dot_dimension_numbers<[0], [0], [1], [1], [0, 1, 1, 1], [], []>, transpose_lhs_hint = false} : vector<2560x128xf32>, vector<2560x128xf32>, vector<128x128xf32> -> vector<128x128xf32>
      %dot_general3A_365 = arith.constant dense<0.000000e+00> : vector<128x128xf32>
      %dot_general3A_366 = tpu.matmul %convert_element_type3A_362, %select_n3A_126, %dot_general3A_365 {dimension_numbers = #tpu.dot_dimension_numbers<[0], [0], [1], [1], [0, 1, 1, 1], [], []>, transpose_lhs_hint = false} : vector<2560x128xf32>, vector<2560x128xf32>, vector<128x128xf32> -> vector<128x128xf32>
      %get3A_367 = arith.constant 1408 : index
      %get3A_368 = arith.constant 0 : index
      %get3A_369 = vector.load %arg9[%get3A_367, %get3A_368] : memref<2048x128xf32, #tpu.memory_space<vmem>>, vector<128x128xf32>
      %add3A_370 = arith.addf %get3A_369, %dot_general3A_364 : vector<128x128xf32>
      %swap3A_371 = arith.constant 1408 : index
      %swap3A_372 = arith.constant 0 : index
      %swap3A_373 = vector.load %arg9[%swap3A_371, %swap3A_372] : memref<2048x128xf32, #tpu.memory_space<vmem>>, vector<128x128xf32>
      tpu.vector_store %arg9[%swap3A_371, %swap3A_372], %add3A_370 {strides = array<i32>} : memref<2048x128xf32, #tpu.memory_space<vmem>>, vector<128x128xf32>,
      %get3A_374 = arith.constant 1408 : index
      %get3A_375 = arith.constant 0 : index
      %get3A_376 = vector.load %arg10[%get3A_374, %get3A_375] : memref<2048x128xf32, #tpu.memory_space<vmem>>, vector<128x128xf32>
      %add3A_377 = arith.addf %get3A_376, %dot_general3A_366 : vector<128x128xf32>
      %swap3A_378 = arith.constant 1408 : index
      %swap3A_379 = arith.constant 0 : index
      %swap3A_380 = vector.load %arg10[%swap3A_378, %swap3A_379] : memref<2048x128xf32, #tpu.memory_space<vmem>>, vector<128x128xf32>
      tpu.vector_store %arg10[%swap3A_378, %swap3A_379], %add3A_377 {strides = array<i32>} : memref<2048x128xf32, #tpu.memory_space<vmem>>, vector<128x128xf32>,
    } else {
    }
    %le3A_323 = arith.constant 1.663000e+03 : f32
    %le3A_324 = arith.cmpf ole, %reduce_min3A_224, %le3A_323 : f32
    %ge3A_325 = arith.constant 1.536000e+03 : f32
    %ge3A_326 = arith.cmpf oge, %reduce_max3A_228, %ge3A_325 : f32
    %and3A_327 = arith.andi %le3A_324, %ge3A_326 : i1
    %convert_element_type3A_328 = arith.extui %and3A_327 : i1 to i32
    %cond3A_329 = arith.constant 0 : i32
    %cond3A_330 = arith.cmpi ne, %convert_element_type3A_328, %cond3A_329 : i32
    scf.if %cond3A_330 {
      %add3A_355 = arith.constant 1536 : i32
      %add3A_356 = vector.broadcast %add3A_355 : i32 to vector<2560x128xi32>
      %add3A_357 = arith.addi %add3A_356, %iota3A_208 : vector<2560x128xi32>
      %convert_element_type3A_358 = arith.sitofp %add3A_357 : vector<2560x128xi32> to vector<2560x128xf32>
      %eq3A_359 = vector.broadcast %broadcast_in_dim3A_220 : vector<2560x1xf32> to vector<2560x128xf32>
      %eq3A_360 = arith.cmpf oeq, %eq3A_359, %convert_element_type3A_358 : vector<2560x128xf32>
      %convert_element_type3A_361 = arith.extui %eq3A_360 : vector<2560x128xi1> to vector<2560x128xi32>
      %convert_element_type3A_362 = arith.sitofp %convert_element_type3A_361 : vector<2560x128xi32> to vector<2560x128xf32>
      %dot_general3A_363 = arith.constant dense<0.000000e+00> : vector<128x128xf32>
      %dot_general3A_364 = tpu.matmul %convert_element_type3A_362, %select_n3A, %dot_general3A_363 {dimension_numbers = #tpu.dot_dimension_numbers<[0], [0], [1], [1], [0, 1, 1, 1], [], []>, transpose_lhs_hint = false} : vector<2560x128xf32>, vector<2560x128xf32>, vector<128x128xf32> -> vector<128x128xf32>
      %dot_general3A_365 = arith.constant dense<0.000000e+00> : vector<128x128xf32>
      %dot_general3A_366 = tpu.matmul %convert_element_type3A_362, %select_n3A_126, %dot_general3A_365 {dimension_numbers = #tpu.dot_dimension_numbers<[0], [0], [1], [1], [0, 1, 1, 1], [], []>, transpose_lhs_hint = false} : vector<2560x128xf32>, vector<2560x128xf32>, vector<128x128xf32> -> vector<128x128xf32>
      %get3A_367 = arith.constant 1536 : index
      %get3A_368 = arith.constant 0 : index
      %get3A_369 = vector.load %arg9[%get3A_367, %get3A_368] : memref<2048x128xf32, #tpu.memory_space<vmem>>, vector<128x128xf32>
      %add3A_370 = arith.addf %get3A_369, %dot_general3A_364 : vector<128x128xf32>
      %swap3A_371 = arith.constant 1536 : index
      %swap3A_372 = arith.constant 0 : index
      %swap3A_373 = vector.load %arg9[%swap3A_371, %swap3A_372] : memref<2048x128xf32, #tpu.memory_space<vmem>>, vector<128x128xf32>
      tpu.vector_store %arg9[%swap3A_371, %swap3A_372], %add3A_370 {strides = array<i32>} : memref<2048x128xf32, #tpu.memory_space<vmem>>, vector<128x128xf32>,
      %get3A_374 = arith.constant 1536 : index
      %get3A_375 = arith.constant 0 : index
      %get3A_376 = vector.load %arg10[%get3A_374, %get3A_375] : memref<2048x128xf32, #tpu.memory_space<vmem>>, vector<128x128xf32>
      %add3A_377 = arith.addf %get3A_376, %dot_general3A_366 : vector<128x128xf32>
      %swap3A_378 = arith.constant 1536 : index
      %swap3A_379 = arith.constant 0 : index
      %swap3A_380 = vector.load %arg10[%swap3A_378, %swap3A_379] : memref<2048x128xf32, #tpu.memory_space<vmem>>, vector<128x128xf32>
      tpu.vector_store %arg10[%swap3A_378, %swap3A_379], %add3A_377 {strides = array<i32>} : memref<2048x128xf32, #tpu.memory_space<vmem>>, vector<128x128xf32>,
    } else {
    }
    %le3A_331 = arith.constant 1.791000e+03 : f32
    %le3A_332 = arith.cmpf ole, %reduce_min3A_224, %le3A_331 : f32
    %ge3A_333 = arith.constant 1.664000e+03 : f32
    %ge3A_334 = arith.cmpf oge, %reduce_max3A_228, %ge3A_333 : f32
    %and3A_335 = arith.andi %le3A_332, %ge3A_334 : i1
    %convert_element_type3A_336 = arith.extui %and3A_335 : i1 to i32
    %cond3A_337 = arith.constant 0 : i32
    %cond3A_338 = arith.cmpi ne, %convert_element_type3A_336, %cond3A_337 : i32
    scf.if %cond3A_338 {
      %add3A_355 = arith.constant 1664 : i32
      %add3A_356 = vector.broadcast %add3A_355 : i32 to vector<2560x128xi32>
      %add3A_357 = arith.addi %add3A_356, %iota3A_208 : vector<2560x128xi32>
      %convert_element_type3A_358 = arith.sitofp %add3A_357 : vector<2560x128xi32> to vector<2560x128xf32>
      %eq3A_359 = vector.broadcast %broadcast_in_dim3A_220 : vector<2560x1xf32> to vector<2560x128xf32>
      %eq3A_360 = arith.cmpf oeq, %eq3A_359, %convert_element_type3A_358 : vector<2560x128xf32>
      %convert_element_type3A_361 = arith.extui %eq3A_360 : vector<2560x128xi1> to vector<2560x128xi32>
      %convert_element_type3A_362 = arith.sitofp %convert_element_type3A_361 : vector<2560x128xi32> to vector<2560x128xf32>
      %dot_general3A_363 = arith.constant dense<0.000000e+00> : vector<128x128xf32>
      %dot_general3A_364 = tpu.matmul %convert_element_type3A_362, %select_n3A, %dot_general3A_363 {dimension_numbers = #tpu.dot_dimension_numbers<[0], [0], [1], [1], [0, 1, 1, 1], [], []>, transpose_lhs_hint = false} : vector<2560x128xf32>, vector<2560x128xf32>, vector<128x128xf32> -> vector<128x128xf32>
      %dot_general3A_365 = arith.constant dense<0.000000e+00> : vector<128x128xf32>
      %dot_general3A_366 = tpu.matmul %convert_element_type3A_362, %select_n3A_126, %dot_general3A_365 {dimension_numbers = #tpu.dot_dimension_numbers<[0], [0], [1], [1], [0, 1, 1, 1], [], []>, transpose_lhs_hint = false} : vector<2560x128xf32>, vector<2560x128xf32>, vector<128x128xf32> -> vector<128x128xf32>
      %get3A_367 = arith.constant 1664 : index
      %get3A_368 = arith.constant 0 : index
      %get3A_369 = vector.load %arg9[%get3A_367, %get3A_368] : memref<2048x128xf32, #tpu.memory_space<vmem>>, vector<128x128xf32>
      %add3A_370 = arith.addf %get3A_369, %dot_general3A_364 : vector<128x128xf32>
      %swap3A_371 = arith.constant 1664 : index
      %swap3A_372 = arith.constant 0 : index
      %swap3A_373 = vector.load %arg9[%swap3A_371, %swap3A_372] : memref<2048x128xf32, #tpu.memory_space<vmem>>, vector<128x128xf32>
      tpu.vector_store %arg9[%swap3A_371, %swap3A_372], %add3A_370 {strides = array<i32>} : memref<2048x128xf32, #tpu.memory_space<vmem>>, vector<128x128xf32>,
      %get3A_374 = arith.constant 1664 : index
      %get3A_375 = arith.constant 0 : index
      %get3A_376 = vector.load %arg10[%get3A_374, %get3A_375] : memref<2048x128xf32, #tpu.memory_space<vmem>>, vector<128x128xf32>
      %add3A_377 = arith.addf %get3A_376, %dot_general3A_366 : vector<128x128xf32>
      %swap3A_378 = arith.constant 1664 : index
      %swap3A_379 = arith.constant 0 : index
      %swap3A_380 = vector.load %arg10[%swap3A_378, %swap3A_379] : memref<2048x128xf32, #tpu.memory_space<vmem>>, vector<128x128xf32>
      tpu.vector_store %arg10[%swap3A_378, %swap3A_379], %add3A_377 {strides = array<i32>} : memref<2048x128xf32, #tpu.memory_space<vmem>>, vector<128x128xf32>,
    } else {
    }
    %le3A_339 = arith.constant 1.919000e+03 : f32
    %le3A_340 = arith.cmpf ole, %reduce_min3A_224, %le3A_339 : f32
    %ge3A_341 = arith.constant 1.792000e+03 : f32
    %ge3A_342 = arith.cmpf oge, %reduce_max3A_228, %ge3A_341 : f32
    %and3A_343 = arith.andi %le3A_340, %ge3A_342 : i1
    %convert_element_type3A_344 = arith.extui %and3A_343 : i1 to i32
    %cond3A_345 = arith.constant 0 : i32
    %cond3A_346 = arith.cmpi ne, %convert_element_type3A_344, %cond3A_345 : i32
    scf.if %cond3A_346 {
      %add3A_355 = arith.constant 1792 : i32
      %add3A_356 = vector.broadcast %add3A_355 : i32 to vector<2560x128xi32>
      %add3A_357 = arith.addi %add3A_356, %iota3A_208 : vector<2560x128xi32>
      %convert_element_type3A_358 = arith.sitofp %add3A_357 : vector<2560x128xi32> to vector<2560x128xf32>
      %eq3A_359 = vector.broadcast %broadcast_in_dim3A_220 : vector<2560x1xf32> to vector<2560x128xf32>
      %eq3A_360 = arith.cmpf oeq, %eq3A_359, %convert_element_type3A_358 : vector<2560x128xf32>
      %convert_element_type3A_361 = arith.extui %eq3A_360 : vector<2560x128xi1> to vector<2560x128xi32>
      %convert_element_type3A_362 = arith.sitofp %convert_element_type3A_361 : vector<2560x128xi32> to vector<2560x128xf32>
      %dot_general3A_363 = arith.constant dense<0.000000e+00> : vector<128x128xf32>
      %dot_general3A_364 = tpu.matmul %convert_element_type3A_362, %select_n3A, %dot_general3A_363 {dimension_numbers = #tpu.dot_dimension_numbers<[0], [0], [1], [1], [0, 1, 1, 1], [], []>, transpose_lhs_hint = false} : vector<2560x128xf32>, vector<2560x128xf32>, vector<128x128xf32> -> vector<128x128xf32>
      %dot_general3A_365 = arith.constant dense<0.000000e+00> : vector<128x128xf32>
      %dot_general3A_366 = tpu.matmul %convert_element_type3A_362, %select_n3A_126, %dot_general3A_365 {dimension_numbers = #tpu.dot_dimension_numbers<[0], [0], [1], [1], [0, 1, 1, 1], [], []>, transpose_lhs_hint = false} : vector<2560x128xf32>, vector<2560x128xf32>, vector<128x128xf32> -> vector<128x128xf32>
      %get3A_367 = arith.constant 1792 : index
      %get3A_368 = arith.constant 0 : index
      %get3A_369 = vector.load %arg9[%get3A_367, %get3A_368] : memref<2048x128xf32, #tpu.memory_space<vmem>>, vector<128x128xf32>
      %add3A_370 = arith.addf %get3A_369, %dot_general3A_364 : vector<128x128xf32>
      %swap3A_371 = arith.constant 1792 : index
      %swap3A_372 = arith.constant 0 : index
      %swap3A_373 = vector.load %arg9[%swap3A_371, %swap3A_372] : memref<2048x128xf32, #tpu.memory_space<vmem>>, vector<128x128xf32>
      tpu.vector_store %arg9[%swap3A_371, %swap3A_372], %add3A_370 {strides = array<i32>} : memref<2048x128xf32, #tpu.memory_space<vmem>>, vector<128x128xf32>,
      %get3A_374 = arith.constant 1792 : index
      %get3A_375 = arith.constant 0 : index
      %get3A_376 = vector.load %arg10[%get3A_374, %get3A_375] : memref<2048x128xf32, #tpu.memory_space<vmem>>, vector<128x128xf32>
      %add3A_377 = arith.addf %get3A_376, %dot_general3A_366 : vector<128x128xf32>
      %swap3A_378 = arith.constant 1792 : index
      %swap3A_379 = arith.constant 0 : index
      %swap3A_380 = vector.load %arg10[%swap3A_378, %swap3A_379] : memref<2048x128xf32, #tpu.memory_space<vmem>>, vector<128x128xf32>
      tpu.vector_store %arg10[%swap3A_378, %swap3A_379], %add3A_377 {strides = array<i32>} : memref<2048x128xf32, #tpu.memory_space<vmem>>, vector<128x128xf32>,
    } else {
    }
    %le3A_347 = arith.constant 2.047000e+03 : f32
    %le3A_348 = arith.cmpf ole, %reduce_min3A_224, %le3A_347 : f32
    %ge3A_349 = arith.constant 1.920000e+03 : f32
    %ge3A_350 = arith.cmpf oge, %reduce_max3A_228, %ge3A_349 : f32
    %and3A_351 = arith.andi %le3A_348, %ge3A_350 : i1
    %convert_element_type3A_352 = arith.extui %and3A_351 : i1 to i32
    %cond3A_353 = arith.constant 0 : i32
    %cond3A_354 = arith.cmpi ne, %convert_element_type3A_352, %cond3A_353 : i32
    scf.if %cond3A_354 {
      %add3A_355 = arith.constant 1920 : i32
      %add3A_356 = vector.broadcast %add3A_355 : i32 to vector<2560x128xi32>
      %add3A_357 = arith.addi %add3A_356, %iota3A_208 : vector<2560x128xi32>
      %convert_element_type3A_358 = arith.sitofp %add3A_357 : vector<2560x128xi32> to vector<2560x128xf32>
      %eq3A_359 = vector.broadcast %broadcast_in_dim3A_220 : vector<2560x1xf32> to vector<2560x128xf32>
      %eq3A_360 = arith.cmpf oeq, %eq3A_359, %convert_element_type3A_358 : vector<2560x128xf32>
      %convert_element_type3A_361 = arith.extui %eq3A_360 : vector<2560x128xi1> to vector<2560x128xi32>
      %convert_element_type3A_362 = arith.sitofp %convert_element_type3A_361 : vector<2560x128xi32> to vector<2560x128xf32>
      %dot_general3A_363 = arith.constant dense<0.000000e+00> : vector<128x128xf32>
      %dot_general3A_364 = tpu.matmul %convert_element_type3A_362, %select_n3A, %dot_general3A_363 {dimension_numbers = #tpu.dot_dimension_numbers<[0], [0], [1], [1], [0, 1, 1, 1], [], []>, transpose_lhs_hint = false} : vector<2560x128xf32>, vector<2560x128xf32>, vector<128x128xf32> -> vector<128x128xf32>
      %dot_general3A_365 = arith.constant dense<0.000000e+00> : vector<128x128xf32>
      %dot_general3A_366 = tpu.matmul %convert_element_type3A_362, %select_n3A_126, %dot_general3A_365 {dimension_numbers = #tpu.dot_dimension_numbers<[0], [0], [1], [1], [0, 1, 1, 1], [], []>, transpose_lhs_hint = false} : vector<2560x128xf32>, vector<2560x128xf32>, vector<128x128xf32> -> vector<128x128xf32>
      %get3A_367 = arith.constant 1920 : index
      %get3A_368 = arith.constant 0 : index
      %get3A_369 = vector.load %arg9[%get3A_367, %get3A_368] : memref<2048x128xf32, #tpu.memory_space<vmem>>, vector<128x128xf32>
      %add3A_370 = arith.addf %get3A_369, %dot_general3A_364 : vector<128x128xf32>
      %swap3A_371 = arith.constant 1920 : index
      %swap3A_372 = arith.constant 0 : index
      %swap3A_373 = vector.load %arg9[%swap3A_371, %swap3A_372] : memref<2048x128xf32, #tpu.memory_space<vmem>>, vector<128x128xf32>
      tpu.vector_store %arg9[%swap3A_371, %swap3A_372], %add3A_370 {strides = array<i32>} : memref<2048x128xf32, #tpu.memory_space<vmem>>, vector<128x128xf32>,
      %get3A_374 = arith.constant 1920 : index
      %get3A_375 = arith.constant 0 : index
      %get3A_376 = vector.load %arg10[%get3A_374, %get3A_375] : memref<2048x128xf32, #tpu.memory_space<vmem>>, vector<128x128xf32>
      %add3A_377 = arith.addf %get3A_376, %dot_general3A_366 : vector<128x128xf32>
      %swap3A_378 = arith.constant 1920 : index
      %swap3A_379 = arith.constant 0 : index
      %swap3A_380 = vector.load %arg10[%swap3A_378, %swap3A_379] : memref<2048x128xf32, #tpu.memory_space<vmem>>, vector<128x128xf32>
      tpu.vector_store %arg10[%swap3A_378, %swap3A_379], %add3A_377 {strides = array<i32>} : memref<2048x128xf32, #tpu.memory_space<vmem>>, vector<128x128xf32>,
    } else {
    }
    return
  }
  func.func @transform_0(%arg0: i32) -> (i32, i32, i32) {
    %c0_i32 = arith.constant 0 : i32
    %c0_i32_0 = arith.constant 0 : i32
    %c0_i32_1 = arith.constant 0 : i32
    return %arg0, %c0_i32, %c0_i32_0 : i32, i32, i32
  }
  func.func @transform_1(%arg0: i32) -> (i32, i32) {
    %c0_i32 = arith.constant 0 : i32
    %c0_i32_0 = arith.constant 0 : i32
    return %arg0, %c0_i32 : i32, i32
  }
  func.func @transform_2(%arg0: i32) -> (i32, i32, i32) {
    %c0_i32 = arith.constant 0 : i32
    %c0_i32_0 = arith.constant 0 : i32
    %c0_i32_1 = arith.constant 0 : i32
    return %c0_i32, %arg0, %c0_i32_0 : i32, i32, i32
  }
  func.func @transform_3(%arg0: i32) -> (i32, i32) {
    %c0_i32 = arith.constant 0 : i32
    %c0_i32_0 = arith.constant 0 : i32
    %c0_i32_1 = arith.constant 0 : i32
    return %c0_i32, %c0_i32_0 : i32, i32
  }
  func.func @transform_4(%arg0: i32) -> (i32, i32) {
    %c0_i32 = arith.constant 0 : i32
    %c0_i32_0 = arith.constant 0 : i32
    %c0_i32_1 = arith.constant 0 : i32
    return %c0_i32, %c0_i32_0 : i32, i32
  }
  func.func @transform_5(%arg0: i32) -> (i32, i32) {
    %c0_i32 = arith.constant 0 : i32
    %c0_i32_0 = arith.constant 0 : i32
    %c0_i32_1 = arith.constant 0 : i32
    return %c0_i32, %c0_i32_0 : i32, i32
  }
  func.func @transform_6(%arg0: i32) -> (i32, i32) {
    %c0_i32 = arith.constant 0 : i32
    %c0_i32_0 = arith.constant 0 : i32
    %c0_i32_1 = arith.constant 0 : i32
    return %c0_i32, %c0_i32_0 : i32, i32
  }
  func.func @transform_7(%arg0: i32) -> (i32, i32) {
    %c0_i32 = arith.constant 0 : i32
    %c0_i32_0 = arith.constant 0 : i32
    %c0_i32_1 = arith.constant 0 : i32
    return %c0_i32, %c0_i32_0 : i32, i32
  }
  func.func @transform_8(%arg0: i32) -> (i32, i32) {
    %c0_i32 = arith.constant 0 : i32
    %c0_i32_0 = arith.constant 0 : i32
    %c0_i32_1 = arith.constant 0 : i32
    return %c0_i32, %c0_i32_0 : i32, i32
  }
  func.func @transform_9(%arg0: i32) -> (i32, i32) {
    %c0_i32 = arith.constant 0 : i32
    %c0_i32_0 = arith.constant 0 : i32
    %c0_i32_1 = arith.constant 0 : i32
    return %c0_i32, %c0_i32_0 : i32, i32
  }
  func.func @transform_10(%arg0: i32) -> i32 {
    %c0_i32 = arith.constant 0 : i32
    return %arg0 : i32
  }
}

</mosaic_0001>

<sc_bundles>
// kernel: kernel.5.cloned.1.call-start
scs
__scs_entry_jumppad:
0x0: {  	(pc) =	sbr.rel $0x88, $3  }
0x1: {  	(tag) =	ssettag $0x0;
	lr =	simm.s32 $0x1  }
0x2: {  	[smem:$0x3F99] =	sst lr;
	_ =	strace $0xD0000000  }
0x3: {  	_ = 	snop  }
0x4: {  	_ = 	snop  }
0x5: {  	_ = 	snop  }
0x6: {  	_ = 	snop  }
0x7: {  	_ = 	snop  }
__scs_overlays_trampoline_lowered:
0x8: {  	[smem:$0x3FA8] =	sst s0  }
0x9: {  	[smem:$0x3FA9] =	sst s1  }
0xa: {  	[smem:$0x3FAA] =	sst s2  }
0xb: {  	[smem:$0x3FAB] =	sst s3  }
0xc: {  	[smem:$0x3FAC] =	sst s4  }
0xd: {  	[smem:$0x3FAD] =	sst s5  }
0xe: {  	[smem:$0x3FAE] =	sst s6  }
0xf: {  	[smem:$0x3FAF] =	sst s7  }
0x10: {  	[smem:$0x3FB0] =	sst s8  }
0x11: {  	[smem:$0x3FB1] =	sst s9;
	s0 =	simm.s32 @!p0 $0x0  }
0x12: {  	s1 =	sld [smem:$0x3F97];
	s0 =	simm.s32 @p0 $0x1  }
0x13: {  	[smem:$0x3FB2] =	sst s0;
	s0 =	simm.s32 @!p1 $0x0  }
0x14: {  	s2 =	sld [smem:$0x3F96];
	s0 =	simm.s32 @p1 $0x1  }
0x15: {  	[smem:$0x3FB3] =	sst s0;
	s0 =	simm.s32 @!p2 $0x0  }
0x16: {  	s3 =	sld [smem:$0x3FDB];
	s0 =	simm.s32 @p2 $0x1  }
0x17: {  	s4 =	simm.s32 $0x1BF5;
	[smem:$0x3FB5] =	sst s0  }
0x18: {  	s0 =	sld [smem:$0x3F98];
	_ =	swait.ge [sflag:s4], $0x0  }
0x19: {  	s7 =	sld [smem:$0x3F99]  }
0x1a: {  	s8 =	sadd.s32 $0xFFFFE003, lr  }
0x1b: {  	s9 =	sadd.s32 $0xFFFFFEF7, lr;
	s5 =	simm.s32 $0xFFFFFFFF;
	p2 =	slt.u32 s8, $0xFFFFF086  }
0x1c: {  	p1 =	slt.u32 s9, $0xF7A;
	s5 =	simm.s32 @!p2 $0x0  }
0x1d: {  	s5 =	simm.s32 @p1 $0x1;
	p0 =	seq.s32 s7, s2  }
0x1e: {  	s7 =	smul.u32 @!p0 $0xF7A, s2;
	p2 =	seq.s32 @!p0 s5, $0x0  }
0x1f: {  	s9 =	smul.u32 $0xF7A, s1;
	s8 =	simm.s32 @!p0 $0x1BF5;
	p2 =	por !p2, p0  }
0x20: {  	[sflag:s8] =	ssyncset.s32 @!p0 $0xFFFFF086;
	s6 =	sadd.s32 @!p0 s3, s7;
	s7 =	simm.s32 @!p0 $0x108  }
0x21: {  	s3 =	sadd.s32 s3, s9;
	s6 =	sadd.s32 @!p0 $0x88, s6;
	s7 =	simm.s32 @p2 $0x1082  }
0x22: {  	[simem:s7], [sflag:s8] =	dma.local @!p0 [hbm:s6], $0xF7A  }
0x23: {  	s9 =	sor.u32 $0xD0000000, s2;
	s6 =	simm.s32 $0x108;
	_ =	swait.ge @!p0 [sflag:s8], $0x0  }
0x24: {  	s3 =	sadd.s32 $0x88, s3;
	s6 =	simm.s32 @!p1 $0x1082;
	[sflag:s4] =	ssyncset.s32 $0xFFFFF086  }
0x25: {  	[simem:s6], [sflag:s4] =	dma.local [hbm:s3], $0xF7A  }
0x26: {  	[smem:$0x3F99] =	sst s1;
	(tag) =	ssettag s2;
	_ =	strace s9  }
0x27: {  	s1 =	sld [smem:$0x3FA9]  }
0x28: {  	s2 =	sld [smem:$0x3FAA]  }
0x29: {  	s4 =	sld [smem:$0x3FAC]  }
0x2a: {  	p0 =	seq.s32 s5, $0x0;
	s5 =	sld [smem:$0x3FAD]  }
0x2b: {  	s6 =	sld [smem:$0x3FAE]  }
0x2c: {  	s7 =	sld [smem:$0x3FAF]  }
0x2d: {  	s3 =	simm.s32 $0x108;
	s8 =	sld [smem:$0x3FB0]  }
0x2e: {  	s3 =	simm.s32 @!p0 $0x1082;
	s9 =	sld [smem:$0x3FB1]  }
0x2f: {  	lr =	sadd.s32 s0, s3;
	s0 =	sld [smem:$0x3FA8]  }
0x30: {  	s3 =	sld [smem:$0x3FAB]  }
0x31: {  	[smem:$0x3FB4] =	sst s10  }
0x32: {  	s10 =	sld [smem:$0x3FB2];
	_ =	sdelay $0x3  }
0x33: {  	p0 =	seq.s32 s10, $0x1;
	s10 =	sld [smem:$0x3FB4];
	_ =	sdelay $0x3  }
0x34: {  	[smem:$0x3FB4] =	sst s10  }
0x35: {  	s10 =	sld [smem:$0x3FB3];
	_ =	sdelay $0x3  }
0x36: {  	p1 =	seq.s32 s10, $0x1;
	s10 =	sld [smem:$0x3FB4];
	_ =	sdelay $0x3  }
0x37: {  	[smem:$0x3FB4] =	sst s10  }
0x38: {  	s10 =	sld [smem:$0x3FB5]  }
0x39: {  	_ = 	snop;
	(pc) =	sbr.ind lr, $3  }
0x3a: {  	_ = 	snop  }
0x3b: {  	_ = 	snop  }
0x3c: {  	p2 =	seq.s32 s10, $0x1;
	s10 =	sld [smem:$0x3FB4]  }
0x3d: {  	_ =	shalt  }
0x3e: {  	_ =	shalt  }
0x3f: {  	_ =	shalt  }
0x40: {  	_ =	shalt  }
0x41: {  	_ =	shalt  }
0x42: {  	_ =	shalt  }
0x43: {  	_ =	shalt  }
0x44: {  	_ =	shalt  }
0x45: {  	_ =	shalt  }
0x46: {  	_ =	shalt  }
0x47: {  	_ =	shalt  }
0x48: {  	_ =	shalt  }
0x49: {  	_ =	shalt  }
0x4a: {  	_ =	shalt  }
0x4b: {  	_ =	shalt  }
0x4c: {  	_ =	shalt  }
0x4d: {  	_ =	shalt  }
0x4e: {  	_ =	shalt  }
0x4f: {  	_ =	shalt  }
0x50: {  	_ =	shalt  }
0x51: {  	_ =	shalt  }
0x52: {  	_ =	shalt  }
0x53: {  	_ =	shalt  }
0x54: {  	_ =	shalt  }
0x55: {  	_ =	shalt  }
0x56: {  	_ =	shalt  }
0x57: {  	_ =	shalt  }
0x58: {  	_ =	shalt  }
0x59: {  	_ =	shalt  }
0x5a: {  	_ =	shalt  }
0x5b: {  	_ =	shalt  }
0x5c: {  	_ =	shalt  }
0x5d: {  	_ =	shalt  }
0x5e: {  	_ =	shalt  }
0x5f: {  	_ =	shalt  }
0x60: {  	_ =	shalt  }
0x61: {  	_ =	shalt  }
0x62: {  	_ =	shalt  }
0x63: {  	_ =	shalt  }
0x64: {  	_ =	shalt  }
0x65: {  	_ =	shalt  }
0x66: {  	_ =	shalt  }
0x67: {  	_ =	shalt  }
0x68: {  	_ =	shalt  }
0x69: {  	_ =	shalt  }
0x6a: {  	_ =	shalt  }
0x6b: {  	_ =	shalt  }
0x6c: {  	_ =	shalt  }
0x6d: {  	_ =	shalt  }
0x6e: {  	_ =	shalt  }
0x6f: {  	_ =	shalt  }
0x70: {  	_ =	shalt  }
0x71: {  	_ =	shalt  }
0x72: {  	_ =	shalt  }
0x73: {  	_ =	shalt  }
0x74: {  	_ =	shalt  }
0x75: {  	_ =	shalt  }
0x76: {  	_ =	shalt  }
0x77: {  	_ =	shalt  }
0x78: {  	_ =	shalt  }
0x79: {  	_ =	shalt  }
0x7a: {  	_ =	shalt  }
0x7b: {  	_ =	shalt  }
0x7c: {  	_ =	shalt  }
0x7d: {  	_ =	shalt  }
0x7e: {  	_ =	shalt  }
0x7f: {  	_ =	shalt  }
0x80: {  	_ =	shalt  }
0x81: {  	_ =	shalt  }
0x82: {  	_ =	shalt  }
0x83: {  	_ =	shalt  }
0x84: {  	_ =	shalt  }
0x85: {  	_ =	shalt  }
0x86: {  	_ =	shalt  }
0x87: {  	_ =	shalt  }
.Lfunc_end0:
.L_simem_size_0:
called_computation_lowered:
.L_overlay_start_0:
0x88: {  	s2 =	sld [smem:$0x3FD9]  }
0x89: {  	s3 =	sld [smem:$0x3FFE];
	_ =	sdelay $0x1  }
0x8a: {  	s1 =	srdreg.scid  }
0x8b: {  	s0 =	sand.u32 $0x1, s1  }
0x8c: {  	s16 =	sshll.u32 s0, $0xA;
	s2 =	sadd.s32 s3, s2  }
0x8d: {  	s2 =	sadd.s32 s2, s16  }
0x8e: {  	[smem:$0x3FC0] =	sst s2  }
0x8f: {  	_ = 	snop  }
0x90: {  	(tm) =	ssettm $0x1  }
0x91: {  	s17 =	sld [smem:$0x3FFB];
	_ =	sdelay $0x3  }
0x92: {  	_ =	strace s17  }
0x93: {  	s2 =	sld [smem:$0x3FFC];
	_ =	sdelay $0x3  }
0x94: {  	_ =	strace s2  }
0x95: {  	s2 =	sld [smem:$0x3FFD];
	_ =	sdelay $0x3  }
0x96: {  	_ =	strace s2  }
0x97: {  	_ =	strace $0x8FFFFFFF  }
0x98: {  	s18 =	sld [smem:$0x3FDB];
	_ =	sdelay $0x1  }
0x99: {  	s19 =	simm.s32 $_scs_section_size  }
0x9a: {  	s4 =	simm.s32 $_size__tile_overlayer_lowered;
	s5 =	simm.s32 $_tile_overlayer_lowered  }
0x9b: {  	s22 =	simm.s32 $0x1BFF;
	s21 =	sshll.u32 s5, $0x1;
	s2 =	sadd.s32 s19, s18  }
0x9c: {  	s6 =	simm.s32 $0x0;
	s20 =	sshll.u32 s4, $0x1;
	s4 =	sadd.s32 s21, s2  }
0x9d: {  	[timem:s6], [sflag:s22] =	dma.local [hbm:s4], s20  }
0x9e: {  	_ =	swait.ge [sflag:s22], s20  }
0x9f: {  	s3 =	ssub.s32 $0x0, s20;
	[sflag:s22] =	ssyncset.done $0x0  }
0xa0: {  	[sflag:s22] =	ssyncadd.s32 s3;
	_ =	sdelay $0x1  }
0xa1: {  	s23 =	simm.s32 $0x1B8B  }
0xa2: {  	_ =	swait.ge [sflag:s23], $0x1  }
0xa3: {  	[sflag:s23] =	ssyncset.done $0x0  }
0xa4: {  	s25 =	simm.s32 $0x1B8E;
	s24 =	sld [smem:$0x3FFE];
	[sflag:s23] =	ssyncadd.s32 $0xFFFFFFFF  }
0xa5: {  	s26 =	simm.s32 $execute0_lowered;
	[smem:$0x3FD2] =	sst s25  }
0xa6: {  	s4 =	sshll.u32 s26, $0x1;
	_ =	strace $0x80000046;
	[dreg:$0x1] =	wrdreg $0xFFFFFFFF  }
0xa7: {  	s28 =	simm.s32 $_size_execute0_lowered;
	s2 =	sadd.s32 s2, s4;
	[dreg:$0x0] =	wrdreg $0x0  }
0xa8: {  	s4 =	sshll.u32 s28, $0x1;
	[dreg:$0x2] =	wrdreg s2  }
0xa9: {  	[dreg:$0x3] =	wrdreg s4  }
0xaa: {  	[dreg:$0x4] =	wrdreg $0xC0  }
0xab: {  	_ =	task [dreg:s6], $0x5FFFF  }
0xac: {  	[dreg:$0x1] =	wrdreg $0xFFFFFFFF  }
0xad: {  	[dreg:$0x0] =	wrdreg $0x60  }
0xae: {  	[dreg:$0x2] =	wrdreg s24  }
0xaf: {  	[dreg:$0x3] =	wrdreg $0x9  }
0xb0: {  	_ =	task.clear_ibuf [dreg:s6], $0x4FFFF;
	_ =	strace $0x90000046  }
0xb1: {  	s29 =	simm.s32 $0x9;
	_ =	strace $0x80000048  }
0xb2: {  	_ =	swait.ge [sflag:s29], $0x1  }
0xb3: {  	[sflag:s29] =	ssyncadd.s32 $0xFFFFFFFF  }
0xb4: {  	_ =	strace $0x90000048  }
0xb5: {  	_ =	sfence  }
0xb6: {  	s30 =	sld [smem:$0x0];
	_ =	sdelay $0x2  }
0xb7: {  	s31 =	sshll.u32 s1, $0xD;
	s1 =	sshrl.u32 s1, $0x2  }
0xb8: {  	s3 =	sand.u32 $0x4000, s31;
	s1 =	sadd.s32 s1, s30  }
0xb9: {  	s0 =	sor.u32 s3, s0;
	s1 =	sshll.u32 s1, $0x11  }
0xba: {  	s0 =	sor.u32 s1, s0  }
0xbb: {  	s0 =	sadd.s32 $0x8F2B, s0  }
0xbc: {  	[sflag:s0] =	ssyncadd.remote.s32 $0x1  }
0xbd: {  	_ =	sfence.sel $0xFFFF  }
0xbe: {  	[dreg:$0x0] =	wrdreg $0xFFFFFFFF;
	(pc) =	sbr.abs _section_cstart, $3  }
0xbf: {  	[dreg:$0x1] =	wrdreg $0xFFFFFFFF  }
0xc0: {  	_ =	task.clear_ibuf [dreg:s6], $0x2FFFF;
	_ =	strace $0x9FFFFFFF  }
0xc1: {  	(tm) =	ssettm $0x7FFFFFFF  }
tec
execute0_lowered:
.L_overlay_start_1:
0x0: {  	(tag) =	ssettag $0x1  }
0x1: {  	s6 =	rddreg [dreg:$0x0]  }
0x2: {  	s0 =	rddreg [dreg:$0x1];
	s1 =	simm.s32 $0x0;
	s2 =	srdreg.scid  }
0x3: {  	s11 =	simm.s32 $0xA000;
	s12 =	simm.s32 $0x0;
	[smem:$0x7FF] =	sst s1  }
0x4: {  	s5 =	sand.u32 $0x1, s2;
	s3 =	sadd.s32 $0x4600, s6;
	s2 =	stileid.u32  }
0x5: {  	s4 =	sadd.s32 $0x1400, s6;
	s7 =	sshll.u32 s5, $0x4;
	s8 =	ssub.s32 $0x2, s5  }
0x6: {  	_ =	strace $0x80000047;
	s7 =	sor.u32 s2, s7;
	s10 =	sshrl.u32 s8, $0x1  }
0x7: {  	s5 =	sadd.s32 $0x194600, s6;
	s9 =	sshll.u32 s7, $0xC;
	s8 =	ssub.s32 s8, s10  }
0x8: {  	s10 =	simm.s32 $0x1;
	s9 =	sadd.s32 s9, s6;
	s6 =	smul.u32 $0xA, s7  }
0x9: {  	s8 =	smax.u32 s8, $0x1;
	s7 =	sadd.s32 $0x195600, s9;
	s9 =	simm.s32 $0xA180  }
.LBB2_1:
0xa: {  	[tilespmem:s9], [sflag:$0x1] =	stream.linear.gather [hbm4b:s5+s1], $0x8000, $0x38;
	[tilespmem:$0x12180] =	vst v63  }
0xb: {  	_ =	swait.ge [sflag:s10], $0x8000  }
0xc: {  	[sflag:s10] =	ssyncset.done $0x0  }
0xd: {  	s13 =	simm.s32 $0x0;
	[sflag:s10] =	ssyncadd.s32 $0xFFFF8000  }
.LBB2_2:
0xe: {  	s14 =	sadd.s32 s6, s13  }
0xf: {  	s15 =	smul.u32 $0x1400, s14;
	_ =	sdelay $0x1  }
0x10: {  	s16 =	simm.s32 $0x0;
	s15 =	sadd.s32 s3, s15  }
0x11: {  	[tilespmem:s16], [sflag:$0x1] =	stream.linear.gather [hbm4b:s15+s16], $0xA000, $0x38;
	[tilespmem:$0x12180] =	vst v63  }
0x12: {  	s14 =	smul.u32 $0x28, s14;
	_ =	swait.ge [sflag:s10], $0xA000  }
0x13: {  	[sflag:s10] =	ssyncset.done $0x0  }
0x14: {  	s14 =	sadd.s32 s4, s14;
	[sflag:s10] =	ssyncadd.s32 $0xFFFF6000  }
0x15: {  	[tilespmem:s11], [sflag:$0x1] =	stream.linear.gather [hbm4b:s14+s16], $0x140, $0x38;
	[tilespmem:$0x12180] =	vst v63  }
0x16: {  	_ =	swait.ge [sflag:s10], $0x140  }
0x17: {  	[sflag:s10] =	ssyncset.done $0x0  }
0x18: {  	s16 =	simm.s32 $0x0;
	[sflag:s10] =	ssyncadd.s32 $0xFFFFFEC0  }
0x19: {  	v0 =	vld [tilespmem:s16+$0xA000];
	_ =	sdelay $0x4  }
0x1a: {  	v0 =	vshll.u32 v0, $0x6  }
0x1b: {  	v0 =	vshra.s32 v0, $0x2  }
0x1c: {  	v1 =	vadd.s32 $0xA180, v0  }
0x1d: {  	(v2sf) =	vpush v1, $0x0;
	_ =	sdelay $0x7  }
0x1e: {  	(v2sf) =	vpush v1, $0x1;
	_ =	sdelay $0x5  }
0x1f: {  	s14 =	simm.s32 $0x400  }
0x20: {  	v0 =	vld [tilespmem:s14+$0xFFFFFC00];
	s17 =	spop (v2sf)  }
0x21: {  	v2 =	vld [tilespmem:s17+$0x0]  }
0x22: {  	(v2sf) =	vpush v1, $0x2;
	_ =	sdelay $0x3  }
0x23: {  	v0 =	vadd.f32 v0, v2;
	_ =	sdelay $0x1  }
0x24: {  	s18 =	spop (v2sf);
	[tilespmem:s17+$0x0] =	vst v0  }
0x25: {  	v0 =	vld [tilespmem:s18+$0x0]  }
0x26: {  	v2 =	vld [tilespmem:s14+$0xFFFFFC80]  }
0x27: {  	(v2sf) =	vpush v1, $0x3;
	_ =	sdelay $0x3  }
0x28: {  	v0 =	vadd.f32 v2, v0;
	_ =	sdelay $0x1  }
0x29: {  	s19 =	spop (v2sf);
	[tilespmem:s18+$0x0] =	vst v0  }
0x2a: {  	v0 =	vld [tilespmem:s19+$0x0]  }
0x2b: {  	v2 =	vld [tilespmem:s14+$0xFFFFFD00]  }
0x2c: {  	(v2sf) =	vpush v1, $0x4;
	_ =	sdelay $0x3  }
0x2d: {  	v0 =	vadd.f32 v2, v0;
	_ =	sdelay $0x1  }
0x2e: {  	s20 =	spop (v2sf);
	[tilespmem:s19+$0x0] =	vst v0  }
0x2f: {  	v0 =	vld [tilespmem:s20+$0x0]  }
0x30: {  	v2 =	vld [tilespmem:s14+$0xFFFFFD80]  }
0x31: {  	(v2sf) =	vpush v1, $0x5;
	_ =	sdelay $0x3  }
0x32: {  	v0 =	vadd.f32 v2, v0;
	_ =	sdelay $0x1  }
0x33: {  	s21 =	spop (v2sf);
	[tilespmem:s20+$0x0] =	vst v0  }
0x34: {  	v0 =	vld [tilespmem:s21+$0x0]  }
0x35: {  	v2 =	vld [tilespmem:s14+$0xFFFFFE00]  }
0x36: {  	(v2sf) =	vpush v1, $0x6;
	_ =	sdelay $0x3  }
0x37: {  	v0 =	vadd.f32 v2, v0;
	_ =	sdelay $0x1  }
0x38: {  	s22 =	spop (v2sf);
	[tilespmem:s21+$0x0] =	vst v0  }
0x39: {  	v0 =	vld [tilespmem:s22+$0x0]  }
0x3a: {  	v2 =	vld [tilespmem:s14+$0xFFFFFE80]  }
0x3b: {  	(v2sf) =	vpush v1, $0x7;
	_ =	sdelay $0x3  }
0x3c: {  	v0 =	vadd.f32 v2, v0;
	_ =	sdelay $0x1  }
0x3d: {  	s23 =	spop (v2sf);
	[tilespmem:s22+$0x0] =	vst v0  }
0x3e: {  	v0 =	vld [tilespmem:s23+$0x0]  }
0x3f: {  	v2 =	vld [tilespmem:s14+$0xFFFFFF00]  }
0x40: {  	(v2sf) =	vpush v1, $0x8;
	_ =	sdelay $0x3  }
0x41: {  	v0 =	vadd.f32 v2, v0;
	_ =	sdelay $0x1  }
0x42: {  	s24 =	spop (v2sf);
	[tilespmem:s23+$0x0] =	vst v0  }
0x43: {  	v0 =	vld [tilespmem:s24+$0x0]  }
0x44: {  	v2 =	vld [tilespmem:s14+$0xFFFFFF80]  }
0x45: {  	(v2sf) =	vpush v1, $0x9;
	_ =	sdelay $0x3  }
0x46: {  	v0 =	vadd.f32 v2, v0;
	_ =	sdelay $0x1  }
0x47: {  	s25 =	spop (v2sf);
	[tilespmem:s24+$0x0] =	vst v0  }
0x48: {  	v0 =	vld [tilespmem:s25+$0x0]  }
0x49: {  	v2 =	vld [tilespmem:s14+$0x0]  }
0x4a: {  	(v2sf) =	vpush v1, $0xA;
	_ =	sdelay $0x3  }
0x4b: {  	v0 =	vadd.f32 v2, v0;
	_ =	sdelay $0x1  }
0x4c: {  	s26 =	spop (v2sf);
	[tilespmem:s25+$0x0] =	vst v0  }
0x4d: {  	v0 =	vld [tilespmem:s26+$0x0]  }
0x4e: {  	v2 =	vld [tilespmem:s14+$0x80]  }
0x4f: {  	(v2sf) =	vpush v1, $0xB;
	_ =	sdelay $0x3  }
0x50: {  	v0 =	vadd.f32 v2, v0;
	_ =	sdelay $0x1  }
0x51: {  	s28 =	spop (v2sf);
	[tilespmem:s26+$0x0] =	vst v0  }
0x52: {  	(v2sf) =	vpush v1, $0xC;
	v0 =	vld [tilespmem:s28+$0x0]  }
0x53: {  	v2 =	vld [tilespmem:s14+$0x100];
	_ =	sdelay $0x4  }
0x54: {  	v0 =	vadd.f32 v2, v0;
	_ =	sdelay $0x1  }
0x55: {  	s29 =	spop (v2sf);
	[tilespmem:s28+$0x0] =	vst v0  }
0x56: {  	v0 =	vld [tilespmem:s29+$0x0]  }
0x57: {  	v2 =	vld [tilespmem:s14+$0x180]  }
0x58: {  	(v2sf) =	vpush v1, $0xD;
	_ =	sdelay $0x3  }
0x59: {  	s30 =	spop (v2sf);
	(v2sf) =	vpush v1, $0xE;
	v0 =	vadd.f32 v2, v0;
	_ =	sdelay $0x1  }
0x5a: {  	[tilespmem:s29+$0x0] =	vst v0  }
0x5b: {  	v0 =	vld [tilespmem:s30+$0x0]  }
0x5c: {  	v2 =	vld [tilespmem:s14+$0x200];
	_ =	sdelay $0x4  }
0x5d: {  	v0 =	vadd.f32 v2, v0;
	_ =	sdelay $0x1  }
0x5e: {  	s31 =	spop (v2sf);
	[tilespmem:s30+$0x0] =	vst v0  }
0x5f: {  	v0 =	vld [tilespmem:s31+$0x0]  }
0x60: {  	v2 =	vld [tilespmem:s14+$0x280];
	_ =	sdelay $0x1  }
0x61: {  	s17 =	spop (v2sf);
	(v2sf) =	vpush v1, $0xF;
	_ =	sdelay $0x2  }
0x62: {  	v0 =	vadd.f32 v2, v0;
	_ =	sdelay $0x1  }
0x63: {  	[tilespmem:s31+$0x0] =	vst v0  }
0x64: {  	v0 =	vld [tilespmem:s17+$0x0]  }
0x65: {  	s15 =	simm.s32 $0x400;
	s16 =	simm.s32 $0x40;
	v1 =	vld [tilespmem:s14+$0x300]  }
.LBB2_3:
0x66: {  	p0 =	sne.s32 s16, $0x4C0  }
0x67: {  	s14 =	sadd.s32 $0x800, s14;
	s18 =	smov.u32 s16;
	s16 =	sadd.s32 $0x40, s16  }
0x68: {  	_ =	sdelay $0x2  }
0x69: {  	v0 =	vadd.f32 v1, v0;
	_ =	sdelay $0x1  }
0x6a: {  	[tilespmem:s17+$0x0] =	vst v0;
	s17 =	spop (v2sf)  }
0x6b: {  	v0 =	vld [tilespmem:s17+$0x0]  }
0x6c: {  	v1 =	vld [tilespmem:s15+$0x380];
	s15 =	smov.u32 s14;
	_ =	sdelay $0x4  }
0x6d: {  	v0 =	vadd.f32 v1, v0;
	_ =	sdelay $0x1  }
0x6e: {  	s18 =	sshra.s32 s18, $0x2;
	[tilespmem:s17+$0x0] =	vst v0  }
0x6f: {  	v0 =	vld [tilespmem:s18+$0xA000];
	_ =	sdelay $0x4  }
0x70: {  	v0 =	vshll.u32 v0, $0x6  }
0x71: {  	v0 =	vshra.s32 v0, $0x2  }
0x72: {  	v0 =	vadd.s32 $0xA180, v0  }
0x73: {  	(v2sf) =	vpush v0, $0x0;
	_ =	sdelay $0x7  }
0x74: {  	(v2sf) =	vpush v0, $0x1;
	_ =	sdelay $0x6  }
0x75: {  	v1 =	vld [tilespmem:s14+$0xFFFFFC00];
	s17 =	spop (v2sf)  }
0x76: {  	v2 =	vld [tilespmem:s17+$0x0]  }
0x77: {  	(v2sf) =	vpush v0, $0x2;
	_ =	sdelay $0x3  }
0x78: {  	v1 =	vadd.f32 v1, v2;
	_ =	sdelay $0x1  }
0x79: {  	[tilespmem:s17+$0x0] =	vst v1;
	s17 =	spop (v2sf)  }
0x7a: {  	v1 =	vld [tilespmem:s17+$0x0]  }
0x7b: {  	v2 =	vld [tilespmem:s14+$0xFFFFFC80]  }
0x7c: {  	(v2sf) =	vpush v0, $0x3;
	_ =	sdelay $0x3  }
0x7d: {  	v1 =	vadd.f32 v2, v1;
	_ =	sdelay $0x1  }
0x7e: {  	[tilespmem:s17+$0x0] =	vst v1;
	s17 =	spop (v2sf)  }
0x7f: {  	v1 =	vld [tilespmem:s17+$0x0]  }
0x80: {  	v2 =	vld [tilespmem:s14+$0xFFFFFD00]  }
0x81: {  	(v2sf) =	vpush v0, $0x4;
	_ =	sdelay $0x3  }
0x82: {  	v1 =	vadd.f32 v2, v1;
	_ =	sdelay $0x1  }
0x83: {  	[tilespmem:s17+$0x0] =	vst v1;
	s17 =	spop (v2sf)  }
0x84: {  	v1 =	vld [tilespmem:s17+$0x0]  }
0x85: {  	v2 =	vld [tilespmem:s14+$0xFFFFFD80]  }
0x86: {  	(v2sf) =	vpush v0, $0x5;
	_ =	sdelay $0x3  }
0x87: {  	v1 =	vadd.f32 v2, v1;
	_ =	sdelay $0x1  }
0x88: {  	[tilespmem:s17+$0x0] =	vst v1;
	s17 =	spop (v2sf)  }
0x89: {  	v1 =	vld [tilespmem:s17+$0x0]  }
0x8a: {  	v2 =	vld [tilespmem:s14+$0xFFFFFE00]  }
0x8b: {  	(v2sf) =	vpush v0, $0x6;
	_ =	sdelay $0x3  }
0x8c: {  	v1 =	vadd.f32 v2, v1;
	_ =	sdelay $0x1  }
0x8d: {  	[tilespmem:s17+$0x0] =	vst v1;
	s17 =	spop (v2sf)  }
0x8e: {  	v1 =	vld [tilespmem:s17+$0x0]  }
0x8f: {  	v2 =	vld [tilespmem:s14+$0xFFFFFE80]  }
0x90: {  	(v2sf) =	vpush v0, $0x7;
	_ =	sdelay $0x3  }
0x91: {  	v1 =	vadd.f32 v2, v1;
	_ =	sdelay $0x1  }
0x92: {  	[tilespmem:s17+$0x0] =	vst v1;
	s17 =	spop (v2sf)  }
0x93: {  	v1 =	vld [tilespmem:s17+$0x0]  }
0x94: {  	v2 =	vld [tilespmem:s14+$0xFFFFFF00]  }
0x95: {  	(v2sf) =	vpush v0, $0x8;
	_ =	sdelay $0x3  }
0x96: {  	v1 =	vadd.f32 v2, v1;
	_ =	sdelay $0x1  }
0x97: {  	[tilespmem:s17+$0x0] =	vst v1;
	s17 =	spop (v2sf)  }
0x98: {  	v1 =	vld [tilespmem:s17+$0x0]  }
0x99: {  	v2 =	vld [tilespmem:s14+$0xFFFFFF80]  }
0x9a: {  	(v2sf) =	vpush v0, $0x9;
	_ =	sdelay $0x3  }
0x9b: {  	v1 =	vadd.f32 v2, v1;
	_ =	sdelay $0x1  }
0x9c: {  	[tilespmem:s17+$0x0] =	vst v1;
	s17 =	spop (v2sf)  }
0x9d: {  	v1 =	vld [tilespmem:s17+$0x0]  }
0x9e: {  	v2 =	vld [tilespmem:s14+$0x0]  }
0x9f: {  	(v2sf) =	vpush v0, $0xA;
	_ =	sdelay $0x3  }
0xa0: {  	v1 =	vadd.f32 v2, v1;
	_ =	sdelay $0x1  }
0xa1: {  	[tilespmem:s17+$0x0] =	vst v1;
	s17 =	spop (v2sf)  }
0xa2: {  	v1 =	vld [tilespmem:s17+$0x0]  }
0xa3: {  	v2 =	vld [tilespmem:s14+$0x80]  }
0xa4: {  	(v2sf) =	vpush v0, $0xB;
	_ =	sdelay $0x3  }
0xa5: {  	v1 =	vadd.f32 v2, v1;
	_ =	sdelay $0x1  }
0xa6: {  	[tilespmem:s17+$0x0] =	vst v1;
	s17 =	spop (v2sf)  }
0xa7: {  	v1 =	vld [tilespmem:s17+$0x0]  }
0xa8: {  	v2 =	vld [tilespmem:s14+$0x100]  }
0xa9: {  	(v2sf) =	vpush v0, $0xC;
	_ =	sdelay $0x3  }
0xaa: {  	v1 =	vadd.f32 v2, v1;
	_ =	sdelay $0x1  }
0xab: {  	[tilespmem:s17+$0x0] =	vst v1;
	s17 =	spop (v2sf)  }
0xac: {  	v1 =	vld [tilespmem:s17+$0x0]  }
0xad: {  	v2 =	vld [tilespmem:s14+$0x180]  }
0xae: {  	(v2sf) =	vpush v0, $0xD;
	_ =	sdelay $0x3  }
0xaf: {  	v1 =	vadd.f32 v2, v1;
	_ =	sdelay $0x1  }
0xb0: {  	[tilespmem:s17+$0x0] =	vst v1;
	s17 =	spop (v2sf)  }
0xb1: {  	v1 =	vld [tilespmem:s17+$0x0]  }
0xb2: {  	v2 =	vld [tilespmem:s14+$0x200]  }
0xb3: {  	(v2sf) =	vpush v0, $0xE;
	_ =	sdelay $0x3  }
0xb4: {  	v1 =	vadd.f32 v2, v1;
	_ =	sdelay $0x1  }
0xb5: {  	[tilespmem:s17+$0x0] =	vst v1;
	s17 =	spop (v2sf)  }
0xb6: {  	v1 =	vld [tilespmem:s17+$0x0]  }
0xb7: {  	v2 =	vld [tilespmem:s14+$0x280]  }
0xb8: {  	(v2sf) =	vpush v0, $0xF;
	_ =	sdelay $0x3  }
.Ltmp0:
0xb9: {  	v0 =	vadd.f32 v2, v1;
	(pc) =	sbr.rel @p0 .LBB2_3-.Ltmp0, $4  }
0xba: {  	_ = 	snop  }
0xbb: {  	[tilespmem:s17+$0x0] =	vst v0;
	s17 =	spop (v2sf)  }
0xbc: {  	v0 =	vld [tilespmem:s17+$0x0]  }
0xbd: {  	v1 =	vld [tilespmem:s14+$0x300]  }
0xbe: {  	_ =	sdelay $0x3  }
0xbf: {  	v0 =	vadd.f32 v1, v0;
	_ =	sdelay $0x1  }
0xc0: {  	[tilespmem:s17+$0x0] =	vst v0;
	s14 =	spop (v2sf)  }
0xc1: {  	v0 =	vld [tilespmem:s14+$0x0]  }
0xc2: {  	v63 =	vld [tilespmem:s15+$0x380]  }
0xc3: {  	s13 =	sadd.s32 $0x1, s13  }
0xc4: {  	p0 =	sne.s32 s13, $0xA  }
.Ltmp1:
0xc5: {  	_ = 	snop;
	(pc) =	sbr.rel @p0 .LBB2_2-.Ltmp1, $3  }
0xc6: {  	_ = 	snop  }
0xc7: {  	v0 =	vadd.f32 v63, v0;
	_ =	sdelay $0x1  }
0xc8: {  	[tilespmem:s14+$0x0] =	vst v0  }
0xc9: {  	s12 =	sadd.s32 $0x1, s12  }
0xca: {  	p0 =	sne.s32 s12, s8  }
.Ltmp2:
0xcb: {  	_ = 	snop;
	(pc) =	sbr.rel @p0 .LBB2_1-.Ltmp2, $4  }
0xcc: {  	[hbm4b:s7+s1] =	stream.linear.scatter [tilespmem:s9], [sflag:$0x1], $0x8000, $0x38;
	[tilespmem:$0x12180] =	vst v63  }
0xcd: {  	_ =	swait.ge [sflag:s10], $0x8000  }
0xce: {  	[sflag:s10] =	ssyncset.done $0x0  }
0xcf: {  	[sflag:s10] =	ssyncadd.s32 $0xFFFF8000  }
0xd0: {  	_ =	sfence.sel $0x180000  }
0xd1: {  	[bflag:$0x0] =	sbarrier.arrive $0xFFFF  }
0xd2: {  	p0 =	sne.s32 s2, $0x0;
	_ =	strace $0x90000047  }
0xd3: {  	s0 =	sadd.s32 @!p0 $0x100000, s0;
	[bflag:$0x2] =	sbarrier.arrive $0xFFFF  }
0xd4: {  	[sflag:s0] =	ssyncadd.tile.s32 @!p0 $0x1;
	_ =	shalt  }
.Lfunc_end2:
_tile_overlayer_lowered:
.L_overlay_start_2:
0xd5: {  	(tag) =	ssettag $0x2  }
0xd6: {  	s0 =	rddreg [dreg:$0x0];
	s2 =	stileid.u32  }
0xd7: {  	s1 =	rddreg [dreg:$0x1];
	p0 =	sne.s32 s2, $0x0  }
0xd8: {  	s3 =	rddreg [dreg:$0x2];
	[bflag:$0x3] =	sbarrier.arrive $0xFFFF;
	s2 =	simm.s32 @!p0 $0x1C01  }
0xd9: {  	[timem:s3], [sflag:s2] =	dma.local @!p0 [hbm:s0], s1  }
0xda: {  	s0 =	simm.s32 @!p0 $0x1  }
0xdb: {  	_ =	swait.ge @!p0 [sflag:s0], s1  }
0xdc: {  	s1 =	ssub.s32 @!p0 $0x0, s1;
	[sflag:s0] =	ssyncset.done @!p0 $0x0  }
0xdd: {  	[sflag:s0] =	ssyncadd.s32 @!p0 s1  }
0xde: {  	[bflag:$0x3] =	sbarrier.arrive $0xFFFF  }
0xdf: {  	_ =	shalt  }

</sc_bundles>
